<compile_context>
chip_gen: v7x
topology: tpu7x:2x2x1
jax: 0.10.2.dev20260603
libtpu: 0.0.44.dev20260713+nightly
codegen_flags: <defaults>
</compile_context>

<pallas_src>
import functools

import jax
import jax.numpy as jnp
from jax import lax
from jax.experimental import pallas as pl
from jax.experimental.pallas import tpu as pltpu
from jax.experimental.pallas import tpu_sc as plsc

NH = 32
NR = 128
E = 6400000
K = 16

NC = 2
NS = 16
NW = NC * NS

CHUNK = 2048
ROWS = CHUNK // 128
STEPS = CHUNK // 16
TOT_CHUNKS = E // CHUNK
BASE_CH = TOT_CHUNKS // NW
REM = TOT_CHUNKS - BASE_CH * NW

def _sc_reduce_body(src_hbm, tgt_hbm, et_hbm, gm_hbm, hist_out, sum_out,
               src_v, tgt_v, et_v, idx1_v, idx2_v, vals1_v, vals2_v,
               hist_v, stage_v, sem):
    wid = lax.axis_index("s") * NC + lax.axis_index("c")
    nch = BASE_CH + jnp.where(wid < REM, 1, 0)
    ch0 = wid * BASE_CH + jnp.minimum(wid, REM)
    lane = lax.iota(jnp.int32, 16)
    ones_i = jnp.ones((16,), jnp.int32)
    zeros_i = jnp.zeros((16,), jnp.int32)

    def _zero(n, carry):
        hist_v[n] = zeros_i
        return carry

    lax.fori_loop(0, NR, _zero, 0)

    def _chunk(c, acc):
        e0 = (ch0 + c) * CHUNK
        pltpu.sync_copy(src_hbm.at[pl.ds(e0, CHUNK)], src_v)
        pltpu.sync_copy(tgt_hbm.at[pl.ds(e0, CHUNK)], tgt_v)
        pltpu.sync_copy(et_hbm.at[pl.ds(e0, CHUNK)], et_v)

        def _mkidx(n, carry):
            off = n * 16
            s = src_v[pl.ds(off, 16)]
            t = tgt_v[pl.ds(off, 16)]
            r = et_v[pl.ds(off, 16)]
            idx1_v[pl.ds(off, 16)] = s * NR + r
            idx2_v[pl.ds(off, 16)] = t * NR + r
            plsc.addupdate_scatter(hist_v, [r, lane], ones_i)
            return carry

        lax.fori_loop(0, STEPS, _mkidx, 0)

        cps = []
        for j in range(ROWS):
            sl = pl.ds(j * 128, 128)
            cps.append(pltpu.async_copy(gm_hbm.at[idx1_v.at[sl]], vals1_v.at[sl], sem))
            cps.append(pltpu.async_copy(gm_hbm.at[idx2_v.at[sl]], vals2_v.at[sl], sem))
        for cp in cps:
            cp.wait()

        def _accum(n, a):
            off = n * 16
            return a + vals1_v[pl.ds(off, 16)] + vals2_v[pl.ds(off, 16)]

        return lax.fori_loop(0, STEPS, _accum, acc)

    acc = lax.fori_loop(0, nch, _chunk, jnp.zeros((16,), jnp.float32))
    stage_v[...] = acc
    pltpu.sync_copy(stage_v, sum_out.at[wid])
    pltpu.sync_copy(hist_v, hist_out.at[wid])


@functools.cache
def _sc_reduce():
    mesh = plsc.VectorSubcoreMesh(
        core_axis_name="c", subcore_axis_name="s",
        num_cores=NC, num_subcores=NS)
    return pl.kernel(
        _sc_reduce_body,
        out_type=(
            jax.ShapeDtypeStruct((NW, NR, 16), jnp.int32),
            jax.ShapeDtypeStruct((NW, 16), jnp.float32),
        ),
        mesh=mesh,
        compiler_params=pltpu.CompilerParams(needs_layout_passes=False),
        scratch_types=[
            pltpu.VMEM((CHUNK,), jnp.int32),
            pltpu.VMEM((CHUNK,), jnp.int32),
            pltpu.VMEM((CHUNK,), jnp.int32),
            pltpu.VMEM((CHUNK,), jnp.int32),
            pltpu.VMEM((CHUNK,), jnp.int32),
            pltpu.VMEM((CHUNK,), jnp.float32),
            pltpu.VMEM((CHUNK,), jnp.float32),
            pltpu.VMEM((NR, 16), jnp.int32),
            pltpu.VMEM((16,), jnp.float32),
            pltpu.SemaphoreType.DMA,
        ],
    )


def _finish_body(hp_ref, sp_ref, aff_ref, hiw_ref, alpha_ref, gum_ref, base_ref,
                 mask_ref, fs_ref):
    counts = jnp.sum(hp_ref[...].astype(jnp.float32), axis=0, keepdims=True)
    rel_w = counts / jnp.sum(counts)
    hs = jnp.sum(aff_ref[...] * rel_w, axis=1, keepdims=True)
    e = jnp.exp(hs - jnp.max(hs))
    rel_scores = e / jnp.sum(e)

    g_mean = jnp.sum(sp_ref[...]) / (2.0 * E)
    factor = 1.0 / (1.0 + jnp.exp(-(g_mean - 0.5) * 10.0))
    base = base_ref[...]
    ghs = base * factor + (1.0 - base) * (1.0 - factor)
    ge = jnp.exp(ghs - jnp.max(ghs))
    gran_scores = ge / jnp.sum(ge)

    fa = 1.0 / (1.0 + jnp.exp(-alpha_ref[0, 0]))
    combined = fa * gran_scores + (1.0 - fa) * rel_scores
    fs = combined * (1.0 / (1.0 + jnp.exp(-hiw_ref[...])))
    fs_ref[...] = fs

    probs = jax.nn.sigmoid((fs + gum_ref[...]) / 0.1)
    M = lax.dot_general(
        jnp.ones((NH, 1), jnp.float32), probs,
        dimension_numbers=(((1,), (1,)), ((), ())),
        precision=lax.Precision.HIGHEST,
        preferred_element_type=jnp.float32,
    )
    I = lax.broadcasted_iota(jnp.int32, (NH, NH), 0)
    J = lax.broadcasted_iota(jnp.int32, (NH, NH), 1)
    beats = (M > probs) | ((M == probs) & (J < I))
    rank = jnp.sum(beats.astype(jnp.int32), axis=1, keepdims=True)
    mask_ref[...] = (rank < K).astype(jnp.float32)


_finish = pl.pallas_call(
    _finish_body,
    out_shape=(
        jax.ShapeDtypeStruct((NH, 1), jnp.float32),
        jax.ShapeDtypeStruct((NH, 1), jnp.float32),
    ),
)


def kernel(edge_list, edge_type, granularity_matrix, head_relation_affinity,
           head_importance_weights, granularity_fusion_alpha):
    src = edge_list[0]
    tgt = edge_list[1]
    gm_flat = granularity_matrix.reshape(-1)

    hist_parts, sum_parts = _sc_reduce()(src, tgt, edge_type, gm_flat)
    hp = hist_parts.transpose(0, 2, 1).reshape(NW * 16, NR)

    u = jax.random.uniform(jax.random.key(42), (NH,), dtype=jnp.float32)
    gumbel = (-jnp.log(-jnp.log(u + 1e-10) + 1e-10)).reshape(NH, 1)
    base = jnp.linspace(0.0, 1.0, NH).reshape(NH, 1)

    mask, fs = _finish(
        hp, sum_parts, head_relation_affinity,
        head_importance_weights.reshape(NH, 1),
        granularity_fusion_alpha.reshape(1, 1).astype(jnp.float32),
        gumbel, base,
    )
    return mask.reshape(NH), fs.reshape(NH)

# --- scband reference (transcript-rebuilt; emitter-appended) ---
"""Pipeline reference for scband-gr-cnet-head-selector-7962869367667 (READ-ONLY COPY).

The authoritative reference and input builder live on the scoring server;
editing this copy changes nothing except your own understanding.
"""

import jax, jax.numpy as jnp
import numpy as np

NUM_HEADS = 32
NUM_RELATIONS = 128
NUM_ENTITIES = 100000
SELECTION_RATIO = 0.5
E = 6400000


def setup_inputs(seed: int = 0) -> dict:
    key = jax.random.key(seed)
    k1, k2, k3, k4 = jax.random.split(key, 4)
    edge_list = jax.random.randint(k1, (2, E), 0, NUM_ENTITIES)
    edge_type = jax.random.randint(k2, (E,), 0, NUM_RELATIONS)
    granularity_matrix = jax.random.uniform(k3, (NUM_ENTITIES, NUM_RELATIONS), dtype=jnp.float32)
    # learned parameters per __init__
    head_relation_affinity = jax.random.normal(k4, (NUM_HEADS, NUM_RELATIONS), dtype=jnp.float32)
    head_importance_weights = jnp.ones((NUM_HEADS,), dtype=jnp.float32)
    granularity_fusion_alpha = jnp.asarray(0.7, dtype=jnp.float32)
    return {
        'edge_list': edge_list,
        'edge_type': edge_type,
        'granularity_matrix': granularity_matrix,
        'head_relation_affinity': head_relation_affinity,
        'head_importance_weights': head_importance_weights,
        'granularity_fusion_alpha': granularity_fusion_alpha,
    }


def _relation_based_scores(edge_type, head_relation_affinity):
    safe_et = jnp.clip(edge_type, 0, NUM_RELATIONS - 1)
    counts = jnp.bincount(safe_et, length=NUM_RELATIONS).astype(jnp.float32)
    relation_weights = counts / counts.sum()
    head_scores = head_relation_affinity @ relation_weights
    return jax.nn.softmax(head_scores, axis=0)


def _granularity_based_scores(edge_list, edge_type, granularity_matrix):
    src = edge_list[0]
    tgt = edge_list[1]
    source_granularity = granularity_matrix[src, edge_type]
    target_granularity = granularity_matrix[tgt, edge_type]
    edge_granularity = (source_granularity + target_granularity) / 2.0
    g_mean = edge_granularity.mean()
    g_std = jnp.std(edge_granularity, ddof=1)  # computed but unused, as in torch
    base_scores = jnp.linspace(0.0, 1.0, NUM_HEADS)
    factor = jax.nn.sigmoid((g_mean - 0.5) * 10.0)
    head_scores = base_scores * factor + (1.0 - base_scores) * (1.0 - factor)
    return jax.nn.softmax(head_scores, axis=0)


def reference(edge_list, edge_type, granularity_matrix, head_relation_affinity, head_importance_weights, granularity_fusion_alpha):
    rel_scores = _relation_based_scores(edge_type, head_relation_affinity)
    gran_scores = _granularity_based_scores(edge_list, edge_type, granularity_matrix)
    fusion_alpha = jax.nn.sigmoid(granularity_fusion_alpha)
    combined = fusion_alpha * gran_scores + (1.0 - fusion_alpha) * rel_scores
    final_scores = combined * jax.nn.sigmoid(head_importance_weights)
    # soft head selection (training=True default)
    temperature = 0.1
    u = jax.random.uniform(jax.random.key(42), final_scores.shape, dtype=jnp.float32)
    gumbel = -jnp.log(-jnp.log(u + 1e-10) + 1e-10)
    selection_probs = jax.nn.sigmoid((final_scores + gumbel) / temperature)
    k = int(NUM_HEADS * SELECTION_RATIO)
    if k < NUM_HEADS:
        _, topk_idx = jax.lax.top_k(selection_probs, k)
        head_mask = jnp.zeros_like(selection_probs).at[topk_idx].set(1.0)
    else:
        head_mask = selection_probs
    return (head_mask, jax.lax.stop_gradient(final_scores))

if __name__ == "__main__":
    import jax
    _d = setup_inputs()
    print(jax.jit(kernel)(*tuple(_d.values())))

</pallas_src>

<mosaic_0001>
#map = affine_map<(d0, d1) -> (0)>
#map1 = affine_map<(d0, d1) -> (0, 0, 0)>
#map2 = affine_map<(d0, d1) -> (0, 0)>
module attributes {stable_mosaic.version = 14 : i64} {
  func.func @_sc_reduce_body(%arg0: i32, %arg1: i32, %arg2: memref<6400000xi32, #tpu.memory_space<hbm>>, %arg3: memref<6400000xi32, #tpu.memory_space<hbm>>, %arg4: memref<6400000xi32, #tpu.memory_space<hbm>>, %arg5: memref<12800000xf32, #tpu.memory_space<hbm>>, %arg6: memref<32x128x16xi32, #tpu.memory_space<hbm>>, %arg7: memref<32x16xf32, #tpu.memory_space<hbm>>, %arg8: memref<2048xi32, #tpu.memory_space<vmem>>, %arg9: memref<2048xi32, #tpu.memory_space<vmem>>, %arg10: memref<2048xi32, #tpu.memory_space<vmem>>, %arg11: memref<2048xi32, #tpu.memory_space<vmem>>, %arg12: memref<2048xi32, #tpu.memory_space<vmem>>, %arg13: memref<2048xf32, #tpu.memory_space<vmem>>, %arg14: memref<2048xf32, #tpu.memory_space<vmem>>, %arg15: memref<128x16xi32, #tpu.memory_space<vmem>>, %arg16: memref<16xf32, #tpu.memory_space<vmem>>, %arg17: memref<!tpu.dma_semaphore, #tpu.memory_space<semaphore_mem>>) attributes {dimension_semantics = [#tpu.dimension_semantics<core_parallel>, #tpu.dimension_semantics<subcore_parallel>], iteration_bounds = array<i64: 2, 16>, scalar_prefetch = 0 : i64, scratch_operands = 10 : i64, tpu.core_type = #tpu.core_type<sc_vector_subcore>, window_params = [{transform_indices = #map}, {transform_indices = #map}, {transform_indices = #map}, {transform_indices = #map}, {transform_indices = #map1}, {transform_indices = #map2}]} {
    %mul3A = arith.constant 2 : i32
    %mul3A_0 = arith.muli %arg1, %mul3A : i32
    %add3A = arith.addi %mul3A_0, %arg0 : i32
    %lt3A = arith.constant 21 : i32
    %lt3A_1 = arith.cmpi slt, %add3A, %lt3A : i32
    %jit3A = arith.constant 1 : i32
    %jit3A_2 = arith.constant 0 : i32
    %select_n3A = arith.select %lt3A_1, %jit3A, %jit3A_2 : i32
    %add3A_3 = arith.constant 97 : i32
    %add3A_4 = arith.addi %add3A_3, %select_n3A : i32
    %mul3A_5 = arith.constant 97 : i32
    %mul3A_6 = arith.muli %add3A, %mul3A_5 : i32
    %min3A = arith.constant 21 : i32
    %min3A_7 = arith.minsi %add3A, %min3A : i32
    %add3A_8 = arith.addi %mul3A_6, %min3A_7 : i32
    %iota3A = tpu.iota {dimensions = array<i32: 0>} : vector<16xi32>
    %broadcast_in_dim3A = arith.constant 1 : i32
    %broadcast_in_dim3A_9 = vector.broadcast %broadcast_in_dim3A : i32 to vector<16xi32>
    %broadcast_in_dim3A_10 = arith.constant 0 : i32
    %broadcast_in_dim3A_11 = vector.broadcast %broadcast_in_dim3A_10 : i32 to vector<16xi32>
    %scan3A = arith.constant 0 : i32
    %scan3A_12 = arith.constant 0 : i32
    %scan3A_13 = arith.constant 128 : i32
    %scan3A_14 = arith.addi %scan3A_12, %scan3A_13 : i32
    %scan3A_15 = arith.constant 1 : i32
    scf.for %scan3A_30 = %scan3A_12 to %scan3A_14 step %scan3A_15  : i32 {
      %swap3A_31 = arith.index_cast %scan3A_30 : i32 to index
      %swap3A_32 = arith.constant 0 : index
      %swap3A_33 = tpu.vector_load %arg15[%swap3A_31, %swap3A_32] {strides = array<i32>} : memref<128x16xi32, #tpu.memory_space<vmem>>, vector<16xi32>,
      tpu.vector_store %arg15[%swap3A_31, %swap3A_32], %broadcast_in_dim3A_11 {strides = array<i32>} : memref<128x16xi32, #tpu.memory_space<vmem>>, vector<16xi32>,
    }
    %scan3A_16 = arith.constant 128 : i32
    %broadcast_in_dim3A_17 = arith.constant 0.000000e+00 : f32
    %broadcast_in_dim3A_18 = vector.broadcast %broadcast_in_dim3A_17 : f32 to vector<16xf32>
    %while3A = arith.constant 0 : i32
    %while3A_19 = arith.subi %add3A_4, %while3A : i32
    %while3A_20 = arith.addi %while3A, %while3A_19 : i32
    %while3A_21 = arith.constant 1 : i32
    %while3A_22 = arith.divsi %while3A_19, %while3A_21 : i32
    %while3A_23 = arith.muli %while3A_22, %while3A_21 : i32
    %while3A_24 = arith.addi %while3A, %while3A_23 : i32
    %while3A_25 = arith.constant 1 : i32
    %while3A_26 = scf.for %while3A_30 = %while3A to %while3A_24 step %while3A_25 iter_args(%while3A_31 = %broadcast_in_dim3A_18) -> (vector<16xf32>)  : i32 {
      %add3A_32 = arith.addi %add3A_8, %while3A_30 : i32
      %mul3A_33 = arith.constant 2048 : i32
      %mul3A_34 = arith.muli %add3A_32, %mul3A_33 : i32
      "tpu.region"() ({
        %run_scoped3A = tpu.sem_alloc : memref<!tpu.dma_semaphore, #tpu.memory_space<semaphore_mem>>
        %dma_start3A_429 = tpu.memref_slice %arg2[%mul3A_34] : memref<6400000xi32, #tpu.memory_space<hbm>> -> memref<2048xi32, #tpu.memory_space<hbm>>
        %dma_start3A_430 = tpu.memref_slice %arg2[%mul3A_34] : memref<6400000xi32, #tpu.memory_space<hbm>> -> memref<2048xi32, #tpu.memory_space<hbm>>
        tpu.enqueue_dma source(%dma_start3A_430 : memref<2048xi32, #tpu.memory_space<hbm>>) target(%arg8 : memref<2048xi32, #tpu.memory_space<vmem>>) target_semaphore(%run_scoped3A : memref<!tpu.dma_semaphore, #tpu.memory_space<semaphore_mem>>)
        %dma_wait3A_431 = tpu.memref_slice %arg2[%mul3A_34] : memref<6400000xi32, #tpu.memory_space<hbm>> -> memref<2048xi32, #tpu.memory_space<hbm>>
        %dma_wait3A_432 = tpu.memref_slice %arg2[%mul3A_34] : memref<6400000xi32, #tpu.memory_space<hbm>> -> memref<2048xi32, #tpu.memory_space<hbm>>
        tpu.wait_dma2 semaphore(%run_scoped3A : memref<!tpu.dma_semaphore, #tpu.memory_space<semaphore_mem>>) src(%dma_wait3A_432 : memref<2048xi32, #tpu.memory_space<hbm>>) dst(%arg8 : memref<2048xi32, #tpu.memory_space<vmem>>)
        tpu.yield
      }) : () -> ()
      "tpu.region"() ({
        %run_scoped3A = tpu.sem_alloc : memref<!tpu.dma_semaphore, #tpu.memory_space<semaphore_mem>>
        %dma_start3A_429 = tpu.memref_slice %arg3[%mul3A_34] : memref<6400000xi32, #tpu.memory_space<hbm>> -> memref<2048xi32, #tpu.memory_space<hbm>>
        %dma_start3A_430 = tpu.memref_slice %arg3[%mul3A_34] : memref<6400000xi32, #tpu.memory_space<hbm>> -> memref<2048xi32, #tpu.memory_space<hbm>>
        tpu.enqueue_dma source(%dma_start3A_430 : memref<2048xi32, #tpu.memory_space<hbm>>) target(%arg9 : memref<2048xi32, #tpu.memory_space<vmem>>) target_semaphore(%run_scoped3A : memref<!tpu.dma_semaphore, #tpu.memory_space<semaphore_mem>>)
        %dma_wait3A_431 = tpu.memref_slice %arg3[%mul3A_34] : memref<6400000xi32, #tpu.memory_space<hbm>> -> memref<2048xi32, #tpu.memory_space<hbm>>
        %dma_wait3A_432 = tpu.memref_slice %arg3[%mul3A_34] : memref<6400000xi32, #tpu.memory_space<hbm>> -> memref<2048xi32, #tpu.memory_space<hbm>>
        tpu.wait_dma2 semaphore(%run_scoped3A : memref<!tpu.dma_semaphore, #tpu.memory_space<semaphore_mem>>) src(%dma_wait3A_432 : memref<2048xi32, #tpu.memory_space<hbm>>) dst(%arg9 : memref<2048xi32, #tpu.memory_space<vmem>>)
        tpu.yield
      }) : () -> ()
      "tpu.region"() ({
        %run_scoped3A = tpu.sem_alloc : memref<!tpu.dma_semaphore, #tpu.memory_space<semaphore_mem>>
        %dma_start3A_429 = tpu.memref_slice %arg4[%mul3A_34] : memref<6400000xi32, #tpu.memory_space<hbm>> -> memref<2048xi32, #tpu.memory_space<hbm>>
        %dma_start3A_430 = tpu.memref_slice %arg4[%mul3A_34] : memref<6400000xi32, #tpu.memory_space<hbm>> -> memref<2048xi32, #tpu.memory_space<hbm>>
        tpu.enqueue_dma source(%dma_start3A_430 : memref<2048xi32, #tpu.memory_space<hbm>>) target(%arg10 : memref<2048xi32, #tpu.memory_space<vmem>>) target_semaphore(%run_scoped3A : memref<!tpu.dma_semaphore, #tpu.memory_space<semaphore_mem>>)
        %dma_wait3A_431 = tpu.memref_slice %arg4[%mul3A_34] : memref<6400000xi32, #tpu.memory_space<hbm>> -> memref<2048xi32, #tpu.memory_space<hbm>>
        %dma_wait3A_432 = tpu.memref_slice %arg4[%mul3A_34] : memref<6400000xi32, #tpu.memory_space<hbm>> -> memref<2048xi32, #tpu.memory_space<hbm>>
        tpu.wait_dma2 semaphore(%run_scoped3A : memref<!tpu.dma_semaphore, #tpu.memory_space<semaphore_mem>>) src(%dma_wait3A_432 : memref<2048xi32, #tpu.memory_space<hbm>>) dst(%arg10 : memref<2048xi32, #tpu.memory_space<vmem>>)
        tpu.yield
      }) : () -> ()
      %scan3A_35 = arith.constant 0 : i32
      %scan3A_36 = arith.constant 0 : i32
      %scan3A_37 = arith.constant 128 : i32
      %scan3A_38 = arith.addi %scan3A_36, %scan3A_37 : i32
      %scan3A_39 = arith.constant 1 : i32
      scf.for %scan3A_429 = %scan3A_36 to %scan3A_38 step %scan3A_39  : i32 {
        %mul3A_430 = arith.constant 16 : i32
        %mul3A_431 = arith.muli %scan3A_429, %mul3A_430 : i32
        %get3A = arith.index_cast %mul3A_431 : i32 to index
        %get3A_432 = tpu.vector_load %arg8[%get3A] {strides = array<i32>} : memref<2048xi32, #tpu.memory_space<vmem>>, vector<16xi32>,
        %get3A_433 = arith.index_cast %mul3A_431 : i32 to index
        %get3A_434 = tpu.vector_load %arg9[%get3A_433] {strides = array<i32>} : memref<2048xi32, #tpu.memory_space<vmem>>, vector<16xi32>,
        %get3A_435 = arith.index_cast %mul3A_431 : i32 to index
        %get3A_436 = tpu.vector_load %arg10[%get3A_435] {strides = array<i32>} : memref<2048xi32, #tpu.memory_space<vmem>>, vector<16xi32>,
        %mul3A_437 = arith.constant 128 : i32
        %mul3A_438 = vector.broadcast %mul3A_437 : i32 to vector<16xi32>
        %mul3A_439 = arith.muli %get3A_432, %mul3A_438 : vector<16xi32>
        %add3A_440 = arith.addi %mul3A_439, %get3A_436 : vector<16xi32>
        %swap3A_441 = arith.index_cast %mul3A_431 : i32 to index
        %swap3A_442 = tpu.vector_load %arg11[%swap3A_441] {strides = array<i32>} : memref<2048xi32, #tpu.memory_space<vmem>>, vector<16xi32>,
        tpu.vector_store %arg11[%swap3A_441], %add3A_440 {strides = array<i32>} : memref<2048xi32, #tpu.memory_space<vmem>>, vector<16xi32>,
        %mul3A_443 = arith.constant 128 : i32
        %mul3A_444 = vector.broadcast %mul3A_443 : i32 to vector<16xi32>
        %mul3A_445 = arith.muli %get3A_434, %mul3A_444 : vector<16xi32>
        %add3A_446 = arith.addi %mul3A_445, %get3A_436 : vector<16xi32>
        %swap3A_447 = arith.index_cast %mul3A_431 : i32 to index
        %swap3A_448 = tpu.vector_load %arg12[%swap3A_447] {strides = array<i32>} : memref<2048xi32, #tpu.memory_space<vmem>>, vector<16xi32>,
        tpu.vector_store %arg12[%swap3A_447], %add3A_446 {strides = array<i32>} : memref<2048xi32, #tpu.memory_space<vmem>>, vector<16xi32>,
        tpu.vector_store_idx %arg15[%get3A_436, %iota3A], %broadcast_in_dim3A_9 {add = true} : memref<128x16xi32, #tpu.memory_space<vmem>>[vector<16xi32>, vector<16xi32>], vector<16xi32>,
      }
      %scan3A_40 = arith.constant 128 : i32
      %dma_start3A = arith.constant 0 : i32
      %dma_start3A_41 = tpu.memref_slice %arg13[%dma_start3A] : memref<2048xf32, #tpu.memory_space<vmem>> -> memref<128xf32, #tpu.memory_space<vmem>>
      %dma_start3A_42 = arith.constant 0 : i32
      %dma_start3A_43 = tpu.memref_slice %arg11[%dma_start3A_42] : memref<2048xi32, #tpu.memory_space<vmem>> -> memref<128xi32, #tpu.memory_space<vmem>>
      %dma_start3A_44 = arith.constant 0 : i32
      %dma_start3A_45 = tpu.memref_slice %arg5[%dma_start3A_44] : memref<12800000xf32, #tpu.memory_space<hbm>> -> memref<12800000xf32, #tpu.memory_space<hbm>>
      tpu.enqueue_indirect_dma source(%dma_start3A_45 : memref<12800000xf32, #tpu.memory_space<hbm>>) target(%dma_start3A_41 : memref<128xf32, #tpu.memory_space<vmem>>) offsets(%dma_start3A_43 : memref<128xi32, #tpu.memory_space<vmem>>) semaphore(%arg17 : memref<!tpu.dma_semaphore, #tpu.memory_space<semaphore_mem>>)
      %dma_start3A_46 = arith.constant 0 : i32
      %dma_start3A_47 = tpu.memref_slice %arg14[%dma_start3A_46] : memref<2048xf32, #tpu.memory_space<vmem>> -> memref<128xf32, #tpu.memory_space<vmem>>
      %dma_start3A_48 = arith.constant 0 : i32
      %dma_start3A_49 = tpu.memref_slice %arg12[%dma_start3A_48] : memref<2048xi32, #tpu.memory_space<vmem>> -> memref<128xi32, #tpu.memory_space<vmem>>
      %dma_start3A_50 = arith.constant 0 : i32
      %dma_start3A_51 = tpu.memref_slice %arg5[%dma_start3A_50] : memref<12800000xf32, #tpu.memory_space<hbm>> -> memref<12800000xf32, #tpu.memory_space<hbm>>
      tpu.enqueue_indirect_dma source(%dma_start3A_51 : memref<12800000xf32, #tpu.memory_space<hbm>>) target(%dma_start3A_47 : memref<128xf32, #tpu.memory_space<vmem>>) offsets(%dma_start3A_49 : memref<128xi32, #tpu.memory_space<vmem>>) semaphore(%arg17 : memref<!tpu.dma_semaphore, #tpu.memory_space<semaphore_mem>>)
      %dma_start3A_52 = arith.constant 128 : i32
      %dma_start3A_53 = tpu.memref_slice %arg13[%dma_start3A_52] : memref<2048xf32, #tpu.memory_space<vmem>> -> memref<128xf32, #tpu.memory_space<vmem>>
      %dma_start3A_54 = arith.constant 128 : i32
      %dma_start3A_55 = tpu.memref_slice %arg11[%dma_start3A_54] : memref<2048xi32, #tpu.memory_space<vmem>> -> memref<128xi32, #tpu.memory_space<vmem>>
      %dma_start3A_56 = arith.constant 0 : i32
      %dma_start3A_57 = tpu.memref_slice %arg5[%dma_start3A_56] : memref<12800000xf32, #tpu.memory_space<hbm>> -> memref<12800000xf32, #tpu.memory_space<hbm>>
      tpu.enqueue_indirect_dma source(%dma_start3A_57 : memref<12800000xf32, #tpu.memory_space<hbm>>) target(%dma_start3A_53 : memref<128xf32, #tpu.memory_space<vmem>>) offsets(%dma_start3A_55 : memref<128xi32, #tpu.memory_space<vmem>>) semaphore(%arg17 : memref<!tpu.dma_semaphore, #tpu.memory_space<semaphore_mem>>)
      %dma_start3A_58 = arith.constant 128 : i32
      %dma_start3A_59 = tpu.memref_slice %arg14[%dma_start3A_58] : memref<2048xf32, #tpu.memory_space<vmem>> -> memref<128xf32, #tpu.memory_space<vmem>>
      %dma_start3A_60 = arith.constant 128 : i32
      %dma_start3A_61 = tpu.memref_slice %arg12[%dma_start3A_60] : memref<2048xi32, #tpu.memory_space<vmem>> -> memref<128xi32, #tpu.memory_space<vmem>>
      %dma_start3A_62 = arith.constant 0 : i32
      %dma_start3A_63 = tpu.memref_slice %arg5[%dma_start3A_62] : memref<12800000xf32, #tpu.memory_space<hbm>> -> memref<12800000xf32, #tpu.memory_space<hbm>>
      tpu.enqueue_indirect_dma source(%dma_start3A_63 : memref<12800000xf32, #tpu.memory_space<hbm>>) target(%dma_start3A_59 : memref<128xf32, #tpu.memory_space<vmem>>) offsets(%dma_start3A_61 : memref<128xi32, #tpu.memory_space<vmem>>) semaphore(%arg17 : memref<!tpu.dma_semaphore, #tpu.memory_space<semaphore_mem>>)
      %dma_start3A_64 = arith.constant 256 : i32
      %dma_start3A_65 = tpu.memref_slice %arg13[%dma_start3A_64] : memref<2048xf32, #tpu.memory_space<vmem>> -> memref<128xf32, #tpu.memory_space<vmem>>
      %dma_start3A_66 = arith.constant 256 : i32
      %dma_start3A_67 = tpu.memref_slice %arg11[%dma_start3A_66] : memref<2048xi32, #tpu.memory_space<vmem>> -> memref<128xi32, #tpu.memory_space<vmem>>
      %dma_start3A_68 = arith.constant 0 : i32
      %dma_start3A_69 = tpu.memref_slice %arg5[%dma_start3A_68] : memref<12800000xf32, #tpu.memory_space<hbm>> -> memref<12800000xf32, #tpu.memory_space<hbm>>
      tpu.enqueue_indirect_dma source(%dma_start3A_69 : memref<12800000xf32, #tpu.memory_space<hbm>>) target(%dma_start3A_65 : memref<128xf32, #tpu.memory_space<vmem>>) offsets(%dma_start3A_67 : memref<128xi32, #tpu.memory_space<vmem>>) semaphore(%arg17 : memref<!tpu.dma_semaphore, #tpu.memory_space<semaphore_mem>>)
      %dma_start3A_70 = arith.constant 256 : i32
      %dma_start3A_71 = tpu.memref_slice %arg14[%dma_start3A_70] : memref<2048xf32, #tpu.memory_space<vmem>> -> memref<128xf32, #tpu.memory_space<vmem>>
      %dma_start3A_72 = arith.constant 256 : i32
      %dma_start3A_73 = tpu.memref_slice %arg12[%dma_start3A_72] : memref<2048xi32, #tpu.memory_space<vmem>> -> memref<128xi32, #tpu.memory_space<vmem>>
      %dma_start3A_74 = arith.constant 0 : i32
      %dma_start3A_75 = tpu.memref_slice %arg5[%dma_start3A_74] : memref<12800000xf32, #tpu.memory_space<hbm>> -> memref<12800000xf32, #tpu.memory_space<hbm>>
      tpu.enqueue_indirect_dma source(%dma_start3A_75 : memref<12800000xf32, #tpu.memory_space<hbm>>) target(%dma_start3A_71 : memref<128xf32, #tpu.memory_space<vmem>>) offsets(%dma_start3A_73 : memref<128xi32, #tpu.memory_space<vmem>>) semaphore(%arg17 : memref<!tpu.dma_semaphore, #tpu.memory_space<semaphore_mem>>)
      %dma_start3A_76 = arith.constant 384 : i32
      %dma_start3A_77 = tpu.memref_slice %arg13[%dma_start3A_76] : memref<2048xf32, #tpu.memory_space<vmem>> -> memref<128xf32, #tpu.memory_space<vmem>>
      %dma_start3A_78 = arith.constant 384 : i32
      %dma_start3A_79 = tpu.memref_slice %arg11[%dma_start3A_78] : memref<2048xi32, #tpu.memory_space<vmem>> -> memref<128xi32, #tpu.memory_space<vmem>>
      %dma_start3A_80 = arith.constant 0 : i32
      %dma_start3A_81 = tpu.memref_slice %arg5[%dma_start3A_80] : memref<12800000xf32, #tpu.memory_space<hbm>> -> memref<12800000xf32, #tpu.memory_space<hbm>>
      tpu.enqueue_indirect_dma source(%dma_start3A_81 : memref<12800000xf32, #tpu.memory_space<hbm>>) target(%dma_start3A_77 : memref<128xf32, #tpu.memory_space<vmem>>) offsets(%dma_start3A_79 : memref<128xi32, #tpu.memory_space<vmem>>) semaphore(%arg17 : memref<!tpu.dma_semaphore, #tpu.memory_space<semaphore_mem>>)
      %dma_start3A_82 = arith.constant 384 : i32
      %dma_start3A_83 = tpu.memref_slice %arg14[%dma_start3A_82] : memref<2048xf32, #tpu.memory_space<vmem>> -> memref<128xf32, #tpu.memory_space<vmem>>
      %dma_start3A_84 = arith.constant 384 : i32
      %dma_start3A_85 = tpu.memref_slice %arg12[%dma_start3A_84] : memref<2048xi32, #tpu.memory_space<vmem>> -> memref<128xi32, #tpu.memory_space<vmem>>
      %dma_start3A_86 = arith.constant 0 : i32
      %dma_start3A_87 = tpu.memref_slice %arg5[%dma_start3A_86] : memref<12800000xf32, #tpu.memory_space<hbm>> -> memref<12800000xf32, #tpu.memory_space<hbm>>
      tpu.enqueue_indirect_dma source(%dma_start3A_87 : memref<12800000xf32, #tpu.memory_space<hbm>>) target(%dma_start3A_83 : memref<128xf32, #tpu.memory_space<vmem>>) offsets(%dma_start3A_85 : memref<128xi32, #tpu.memory_space<vmem>>) semaphore(%arg17 : memref<!tpu.dma_semaphore, #tpu.memory_space<semaphore_mem>>)
      %dma_start3A_88 = arith.constant 512 : i32
      %dma_start3A_89 = tpu.memref_slice %arg13[%dma_start3A_88] : memref<2048xf32, #tpu.memory_space<vmem>> -> memref<128xf32, #tpu.memory_space<vmem>>
      %dma_start3A_90 = arith.constant 512 : i32
      %dma_start3A_91 = tpu.memref_slice %arg11[%dma_start3A_90] : memref<2048xi32, #tpu.memory_space<vmem>> -> memref<128xi32, #tpu.memory_space<vmem>>
      %dma_start3A_92 = arith.constant 0 : i32
      %dma_start3A_93 = tpu.memref_slice %arg5[%dma_start3A_92] : memref<12800000xf32, #tpu.memory_space<hbm>> -> memref<12800000xf32, #tpu.memory_space<hbm>>
      tpu.enqueue_indirect_dma source(%dma_start3A_93 : memref<12800000xf32, #tpu.memory_space<hbm>>) target(%dma_start3A_89 : memref<128xf32, #tpu.memory_space<vmem>>) offsets(%dma_start3A_91 : memref<128xi32, #tpu.memory_space<vmem>>) semaphore(%arg17 : memref<!tpu.dma_semaphore, #tpu.memory_space<semaphore_mem>>)
      %dma_start3A_94 = arith.constant 512 : i32
      %dma_start3A_95 = tpu.memref_slice %arg14[%dma_start3A_94] : memref<2048xf32, #tpu.memory_space<vmem>> -> memref<128xf32, #tpu.memory_space<vmem>>
      %dma_start3A_96 = arith.constant 512 : i32
      %dma_start3A_97 = tpu.memref_slice %arg12[%dma_start3A_96] : memref<2048xi32, #tpu.memory_space<vmem>> -> memref<128xi32, #tpu.memory_space<vmem>>
      %dma_start3A_98 = arith.constant 0 : i32
      %dma_start3A_99 = tpu.memref_slice %arg5[%dma_start3A_98] : memref<12800000xf32, #tpu.memory_space<hbm>> -> memref<12800000xf32, #tpu.memory_space<hbm>>
      tpu.enqueue_indirect_dma source(%dma_start3A_99 : memref<12800000xf32, #tpu.memory_space<hbm>>) target(%dma_start3A_95 : memref<128xf32, #tpu.memory_space<vmem>>) offsets(%dma_start3A_97 : memref<128xi32, #tpu.memory_space<vmem>>) semaphore(%arg17 : memref<!tpu.dma_semaphore, #tpu.memory_space<semaphore_mem>>)
      %dma_start3A_100 = arith.constant 640 : i32
      %dma_start3A_101 = tpu.memref_slice %arg13[%dma_start3A_100] : memref<2048xf32, #tpu.memory_space<vmem>> -> memref<128xf32, #tpu.memory_space<vmem>>
      %dma_start3A_102 = arith.constant 640 : i32
      %dma_start3A_103 = tpu.memref_slice %arg11[%dma_start3A_102] : memref<2048xi32, #tpu.memory_space<vmem>> -> memref<128xi32, #tpu.memory_space<vmem>>
      %dma_start3A_104 = arith.constant 0 : i32
      %dma_start3A_105 = tpu.memref_slice %arg5[%dma_start3A_104] : memref<12800000xf32, #tpu.memory_space<hbm>> -> memref<12800000xf32, #tpu.memory_space<hbm>>
      tpu.enqueue_indirect_dma source(%dma_start3A_105 : memref<12800000xf32, #tpu.memory_space<hbm>>) target(%dma_start3A_101 : memref<128xf32, #tpu.memory_space<vmem>>) offsets(%dma_start3A_103 : memref<128xi32, #tpu.memory_space<vmem>>) semaphore(%arg17 : memref<!tpu.dma_semaphore, #tpu.memory_space<semaphore_mem>>)
      %dma_start3A_106 = arith.constant 640 : i32
      %dma_start3A_107 = tpu.memref_slice %arg14[%dma_start3A_106] : memref<2048xf32, #tpu.memory_space<vmem>> -> memref<128xf32, #tpu.memory_space<vmem>>
      %dma_start3A_108 = arith.constant 640 : i32
      %dma_start3A_109 = tpu.memref_slice %arg12[%dma_start3A_108] : memref<2048xi32, #tpu.memory_space<vmem>> -> memref<128xi32, #tpu.memory_space<vmem>>
      %dma_start3A_110 = arith.constant 0 : i32
      %dma_start3A_111 = tpu.memref_slice %arg5[%dma_start3A_110] : memref<12800000xf32, #tpu.memory_space<hbm>> -> memref<12800000xf32, #tpu.memory_space<hbm>>
      tpu.enqueue_indirect_dma source(%dma_start3A_111 : memref<12800000xf32, #tpu.memory_space<hbm>>) target(%dma_start3A_107 : memref<128xf32, #tpu.memory_space<vmem>>) offsets(%dma_start3A_109 : memref<128xi32, #tpu.memory_space<vmem>>) semaphore(%arg17 : memref<!tpu.dma_semaphore, #tpu.memory_space<semaphore_mem>>)
      %dma_start3A_112 = arith.constant 768 : i32
      %dma_start3A_113 = tpu.memref_slice %arg13[%dma_start3A_112] : memref<2048xf32, #tpu.memory_space<vmem>> -> memref<128xf32, #tpu.memory_space<vmem>>
      %dma_start3A_114 = arith.constant 768 : i32
      %dma_start3A_115 = tpu.memref_slice %arg11[%dma_start3A_114] : memref<2048xi32, #tpu.memory_space<vmem>> -> memref<128xi32, #tpu.memory_space<vmem>>
      %dma_start3A_116 = arith.constant 0 : i32
      %dma_start3A_117 = tpu.memref_slice %arg5[%dma_start3A_116] : memref<12800000xf32, #tpu.memory_space<hbm>> -> memref<12800000xf32, #tpu.memory_space<hbm>>
      tpu.enqueue_indirect_dma source(%dma_start3A_117 : memref<12800000xf32, #tpu.memory_space<hbm>>) target(%dma_start3A_113 : memref<128xf32, #tpu.memory_space<vmem>>) offsets(%dma_start3A_115 : memref<128xi32, #tpu.memory_space<vmem>>) semaphore(%arg17 : memref<!tpu.dma_semaphore, #tpu.memory_space<semaphore_mem>>)
      %dma_start3A_118 = arith.constant 768 : i32
      %dma_start3A_119 = tpu.memref_slice %arg14[%dma_start3A_118] : memref<2048xf32, #tpu.memory_space<vmem>> -> memref<128xf32, #tpu.memory_space<vmem>>
      %dma_start3A_120 = arith.constant 768 : i32
      %dma_start3A_121 = tpu.memref_slice %arg12[%dma_start3A_120] : memref<2048xi32, #tpu.memory_space<vmem>> -> memref<128xi32, #tpu.memory_space<vmem>>
      %dma_start3A_122 = arith.constant 0 : i32
      %dma_start3A_123 = tpu.memref_slice %arg5[%dma_start3A_122] : memref<12800000xf32, #tpu.memory_space<hbm>> -> memref<12800000xf32, #tpu.memory_space<hbm>>
      tpu.enqueue_indirect_dma source(%dma_start3A_123 : memref<12800000xf32, #tpu.memory_space<hbm>>) target(%dma_start3A_119 : memref<128xf32, #tpu.memory_space<vmem>>) offsets(%dma_start3A_121 : memref<128xi32, #tpu.memory_space<vmem>>) semaphore(%arg17 : memref<!tpu.dma_semaphore, #tpu.memory_space<semaphore_mem>>)
      %dma_start3A_124 = arith.constant 896 : i32
      %dma_start3A_125 = tpu.memref_slice %arg13[%dma_start3A_124] : memref<2048xf32, #tpu.memory_space<vmem>> -> memref<128xf32, #tpu.memory_space<vmem>>
      %dma_start3A_126 = arith.constant 896 : i32
      %dma_start3A_127 = tpu.memref_slice %arg11[%dma_start3A_126] : memref<2048xi32, #tpu.memory_space<vmem>> -> memref<128xi32, #tpu.memory_space<vmem>>
      %dma_start3A_128 = arith.constant 0 : i32
      %dma_start3A_129 = tpu.memref_slice %arg5[%dma_start3A_128] : memref<12800000xf32, #tpu.memory_space<hbm>> -> memref<12800000xf32, #tpu.memory_space<hbm>>
      tpu.enqueue_indirect_dma source(%dma_start3A_129 : memref<12800000xf32, #tpu.memory_space<hbm>>) target(%dma_start3A_125 : memref<128xf32, #tpu.memory_space<vmem>>) offsets(%dma_start3A_127 : memref<128xi32, #tpu.memory_space<vmem>>) semaphore(%arg17 : memref<!tpu.dma_semaphore, #tpu.memory_space<semaphore_mem>>)
      %dma_start3A_130 = arith.constant 896 : i32
      %dma_start3A_131 = tpu.memref_slice %arg14[%dma_start3A_130] : memref<2048xf32, #tpu.memory_space<vmem>> -> memref<128xf32, #tpu.memory_space<vmem>>
      %dma_start3A_132 = arith.constant 896 : i32
      %dma_start3A_133 = tpu.memref_slice %arg12[%dma_start3A_132] : memref<2048xi32, #tpu.memory_space<vmem>> -> memref<128xi32, #tpu.memory_space<vmem>>
      %dma_start3A_134 = arith.constant 0 : i32
      %dma_start3A_135 = tpu.memref_slice %arg5[%dma_start3A_134] : memref<12800000xf32, #tpu.memory_space<hbm>> -> memref<12800000xf32, #tpu.memory_space<hbm>>
      tpu.enqueue_indirect_dma source(%dma_start3A_135 : memref<12800000xf32, #tpu.memory_space<hbm>>) target(%dma_start3A_131 : memref<128xf32, #tpu.memory_space<vmem>>) offsets(%dma_start3A_133 : memref<128xi32, #tpu.memory_space<vmem>>) semaphore(%arg17 : memref<!tpu.dma_semaphore, #tpu.memory_space<semaphore_mem>>)
      %dma_start3A_136 = arith.constant 1024 : i32
      %dma_start3A_137 = tpu.memref_slice %arg13[%dma_start3A_136] : memref<2048xf32, #tpu.memory_space<vmem>> -> memref<128xf32, #tpu.memory_space<vmem>>
      %dma_start3A_138 = arith.constant 1024 : i32
      %dma_start3A_139 = tpu.memref_slice %arg11[%dma_start3A_138] : memref<2048xi32, #tpu.memory_space<vmem>> -> memref<128xi32, #tpu.memory_space<vmem>>
      %dma_start3A_140 = arith.constant 0 : i32
      %dma_start3A_141 = tpu.memref_slice %arg5[%dma_start3A_140] : memref<12800000xf32, #tpu.memory_space<hbm>> -> memref<12800000xf32, #tpu.memory_space<hbm>>
      tpu.enqueue_indirect_dma source(%dma_start3A_141 : memref<12800000xf32, #tpu.memory_space<hbm>>) target(%dma_start3A_137 : memref<128xf32, #tpu.memory_space<vmem>>) offsets(%dma_start3A_139 : memref<128xi32, #tpu.memory_space<vmem>>) semaphore(%arg17 : memref<!tpu.dma_semaphore, #tpu.memory_space<semaphore_mem>>)
      %dma_start3A_142 = arith.constant 1024 : i32
      %dma_start3A_143 = tpu.memref_slice %arg14[%dma_start3A_142] : memref<2048xf32, #tpu.memory_space<vmem>> -> memref<128xf32, #tpu.memory_space<vmem>>
      %dma_start3A_144 = arith.constant 1024 : i32
      %dma_start3A_145 = tpu.memref_slice %arg12[%dma_start3A_144] : memref<2048xi32, #tpu.memory_space<vmem>> -> memref<128xi32, #tpu.memory_space<vmem>>
      %dma_start3A_146 = arith.constant 0 : i32
      %dma_start3A_147 = tpu.memref_slice %arg5[%dma_start3A_146] : memref<12800000xf32, #tpu.memory_space<hbm>> -> memref<12800000xf32, #tpu.memory_space<hbm>>
      tpu.enqueue_indirect_dma source(%dma_start3A_147 : memref<12800000xf32, #tpu.memory_space<hbm>>) target(%dma_start3A_143 : memref<128xf32, #tpu.memory_space<vmem>>) offsets(%dma_start3A_145 : memref<128xi32, #tpu.memory_space<vmem>>) semaphore(%arg17 : memref<!tpu.dma_semaphore, #tpu.memory_space<semaphore_mem>>)
      %dma_start3A_148 = arith.constant 1152 : i32
      %dma_start3A_149 = tpu.memref_slice %arg13[%dma_start3A_148] : memref<2048xf32, #tpu.memory_space<vmem>> -> memref<128xf32, #tpu.memory_space<vmem>>
      %dma_start3A_150 = arith.constant 1152 : i32
      %dma_start3A_151 = tpu.memref_slice %arg11[%dma_start3A_150] : memref<2048xi32, #tpu.memory_space<vmem>> -> memref<128xi32, #tpu.memory_space<vmem>>
      %dma_start3A_152 = arith.constant 0 : i32
      %dma_start3A_153 = tpu.memref_slice %arg5[%dma_start3A_152] : memref<12800000xf32, #tpu.memory_space<hbm>> -> memref<12800000xf32, #tpu.memory_space<hbm>>
      tpu.enqueue_indirect_dma source(%dma_start3A_153 : memref<12800000xf32, #tpu.memory_space<hbm>>) target(%dma_start3A_149 : memref<128xf32, #tpu.memory_space<vmem>>) offsets(%dma_start3A_151 : memref<128xi32, #tpu.memory_space<vmem>>) semaphore(%arg17 : memref<!tpu.dma_semaphore, #tpu.memory_space<semaphore_mem>>)
      %dma_start3A_154 = arith.constant 1152 : i32
      %dma_start3A_155 = tpu.memref_slice %arg14[%dma_start3A_154] : memref<2048xf32, #tpu.memory_space<vmem>> -> memref<128xf32, #tpu.memory_space<vmem>>
      %dma_start3A_156 = arith.constant 1152 : i32
      %dma_start3A_157 = tpu.memref_slice %arg12[%dma_start3A_156] : memref<2048xi32, #tpu.memory_space<vmem>> -> memref<128xi32, #tpu.memory_space<vmem>>
      %dma_start3A_158 = arith.constant 0 : i32
      %dma_start3A_159 = tpu.memref_slice %arg5[%dma_start3A_158] : memref<12800000xf32, #tpu.memory_space<hbm>> -> memref<12800000xf32, #tpu.memory_space<hbm>>
      tpu.enqueue_indirect_dma source(%dma_start3A_159 : memref<12800000xf32, #tpu.memory_space<hbm>>) target(%dma_start3A_155 : memref<128xf32, #tpu.memory_space<vmem>>) offsets(%dma_start3A_157 : memref<128xi32, #tpu.memory_space<vmem>>) semaphore(%arg17 : memref<!tpu.dma_semaphore, #tpu.memory_space<semaphore_mem>>)
      %dma_start3A_160 = arith.constant 1280 : i32
      %dma_start3A_161 = tpu.memref_slice %arg13[%dma_start3A_160] : memref<2048xf32, #tpu.memory_space<vmem>> -> memref<128xf32, #tpu.memory_space<vmem>>
      %dma_start3A_162 = arith.constant 1280 : i32
      %dma_start3A_163 = tpu.memref_slice %arg11[%dma_start3A_162] : memref<2048xi32, #tpu.memory_space<vmem>> -> memref<128xi32, #tpu.memory_space<vmem>>
      %dma_start3A_164 = arith.constant 0 : i32
      %dma_start3A_165 = tpu.memref_slice %arg5[%dma_start3A_164] : memref<12800000xf32, #tpu.memory_space<hbm>> -> memref<12800000xf32, #tpu.memory_space<hbm>>
      tpu.enqueue_indirect_dma source(%dma_start3A_165 : memref<12800000xf32, #tpu.memory_space<hbm>>) target(%dma_start3A_161 : memref<128xf32, #tpu.memory_space<vmem>>) offsets(%dma_start3A_163 : memref<128xi32, #tpu.memory_space<vmem>>) semaphore(%arg17 : memref<!tpu.dma_semaphore, #tpu.memory_space<semaphore_mem>>)
      %dma_start3A_166 = arith.constant 1280 : i32
      %dma_start3A_167 = tpu.memref_slice %arg14[%dma_start3A_166] : memref<2048xf32, #tpu.memory_space<vmem>> -> memref<128xf32, #tpu.memory_space<vmem>>
      %dma_start3A_168 = arith.constant 1280 : i32
      %dma_start3A_169 = tpu.memref_slice %arg12[%dma_start3A_168] : memref<2048xi32, #tpu.memory_space<vmem>> -> memref<128xi32, #tpu.memory_space<vmem>>
      %dma_start3A_170 = arith.constant 0 : i32
      %dma_start3A_171 = tpu.memref_slice %arg5[%dma_start3A_170] : memref<12800000xf32, #tpu.memory_space<hbm>> -> memref<12800000xf32, #tpu.memory_space<hbm>>
      tpu.enqueue_indirect_dma source(%dma_start3A_171 : memref<12800000xf32, #tpu.memory_space<hbm>>) target(%dma_start3A_167 : memref<128xf32, #tpu.memory_space<vmem>>) offsets(%dma_start3A_169 : memref<128xi32, #tpu.memory_space<vmem>>) semaphore(%arg17 : memref<!tpu.dma_semaphore, #tpu.memory_space<semaphore_mem>>)
      %dma_start3A_172 = arith.constant 1408 : i32
      %dma_start3A_173 = tpu.memref_slice %arg13[%dma_start3A_172] : memref<2048xf32, #tpu.memory_space<vmem>> -> memref<128xf32, #tpu.memory_space<vmem>>
      %dma_start3A_174 = arith.constant 1408 : i32
      %dma_start3A_175 = tpu.memref_slice %arg11[%dma_start3A_174] : memref<2048xi32, #tpu.memory_space<vmem>> -> memref<128xi32, #tpu.memory_space<vmem>>
      %dma_start3A_176 = arith.constant 0 : i32
      %dma_start3A_177 = tpu.memref_slice %arg5[%dma_start3A_176] : memref<12800000xf32, #tpu.memory_space<hbm>> -> memref<12800000xf32, #tpu.memory_space<hbm>>
      tpu.enqueue_indirect_dma source(%dma_start3A_177 : memref<12800000xf32, #tpu.memory_space<hbm>>) target(%dma_start3A_173 : memref<128xf32, #tpu.memory_space<vmem>>) offsets(%dma_start3A_175 : memref<128xi32, #tpu.memory_space<vmem>>) semaphore(%arg17 : memref<!tpu.dma_semaphore, #tpu.memory_space<semaphore_mem>>)
      %dma_start3A_178 = arith.constant 1408 : i32
      %dma_start3A_179 = tpu.memref_slice %arg14[%dma_start3A_178] : memref<2048xf32, #tpu.memory_space<vmem>> -> memref<128xf32, #tpu.memory_space<vmem>>
      %dma_start3A_180 = arith.constant 1408 : i32
      %dma_start3A_181 = tpu.memref_slice %arg12[%dma_start3A_180] : memref<2048xi32, #tpu.memory_space<vmem>> -> memref<128xi32, #tpu.memory_space<vmem>>
      %dma_start3A_182 = arith.constant 0 : i32
      %dma_start3A_183 = tpu.memref_slice %arg5[%dma_start3A_182] : memref<12800000xf32, #tpu.memory_space<hbm>> -> memref<12800000xf32, #tpu.memory_space<hbm>>
      tpu.enqueue_indirect_dma source(%dma_start3A_183 : memref<12800000xf32, #tpu.memory_space<hbm>>) target(%dma_start3A_179 : memref<128xf32, #tpu.memory_space<vmem>>) offsets(%dma_start3A_181 : memref<128xi32, #tpu.memory_space<vmem>>) semaphore(%arg17 : memref<!tpu.dma_semaphore, #tpu.memory_space<semaphore_mem>>)
      %dma_start3A_184 = arith.constant 1536 : i32
      %dma_start3A_185 = tpu.memref_slice %arg13[%dma_start3A_184] : memref<2048xf32, #tpu.memory_space<vmem>> -> memref<128xf32, #tpu.memory_space<vmem>>
      %dma_start3A_186 = arith.constant 1536 : i32
      %dma_start3A_187 = tpu.memref_slice %arg11[%dma_start3A_186] : memref<2048xi32, #tpu.memory_space<vmem>> -> memref<128xi32, #tpu.memory_space<vmem>>
      %dma_start3A_188 = arith.constant 0 : i32
      %dma_start3A_189 = tpu.memref_slice %arg5[%dma_start3A_188] : memref<12800000xf32, #tpu.memory_space<hbm>> -> memref<12800000xf32, #tpu.memory_space<hbm>>
      tpu.enqueue_indirect_dma source(%dma_start3A_189 : memref<12800000xf32, #tpu.memory_space<hbm>>) target(%dma_start3A_185 : memref<128xf32, #tpu.memory_space<vmem>>) offsets(%dma_start3A_187 : memref<128xi32, #tpu.memory_space<vmem>>) semaphore(%arg17 : memref<!tpu.dma_semaphore, #tpu.memory_space<semaphore_mem>>)
      %dma_start3A_190 = arith.constant 1536 : i32
      %dma_start3A_191 = tpu.memref_slice %arg14[%dma_start3A_190] : memref<2048xf32, #tpu.memory_space<vmem>> -> memref<128xf32, #tpu.memory_space<vmem>>
      %dma_start3A_192 = arith.constant 1536 : i32
      %dma_start3A_193 = tpu.memref_slice %arg12[%dma_start3A_192] : memref<2048xi32, #tpu.memory_space<vmem>> -> memref<128xi32, #tpu.memory_space<vmem>>
      %dma_start3A_194 = arith.constant 0 : i32
      %dma_start3A_195 = tpu.memref_slice %arg5[%dma_start3A_194] : memref<12800000xf32, #tpu.memory_space<hbm>> -> memref<12800000xf32, #tpu.memory_space<hbm>>
      tpu.enqueue_indirect_dma source(%dma_start3A_195 : memref<12800000xf32, #tpu.memory_space<hbm>>) target(%dma_start3A_191 : memref<128xf32, #tpu.memory_space<vmem>>) offsets(%dma_start3A_193 : memref<128xi32, #tpu.memory_space<vmem>>) semaphore(%arg17 : memref<!tpu.dma_semaphore, #tpu.memory_space<semaphore_mem>>)
      %dma_start3A_196 = arith.constant 1664 : i32
      %dma_start3A_197 = tpu.memref_slice %arg13[%dma_start3A_196] : memref<2048xf32, #tpu.memory_space<vmem>> -> memref<128xf32, #tpu.memory_space<vmem>>
      %dma_start3A_198 = arith.constant 1664 : i32
      %dma_start3A_199 = tpu.memref_slice %arg11[%dma_start3A_198] : memref<2048xi32, #tpu.memory_space<vmem>> -> memref<128xi32, #tpu.memory_space<vmem>>
      %dma_start3A_200 = arith.constant 0 : i32
      %dma_start3A_201 = tpu.memref_slice %arg5[%dma_start3A_200] : memref<12800000xf32, #tpu.memory_space<hbm>> -> memref<12800000xf32, #tpu.memory_space<hbm>>
      tpu.enqueue_indirect_dma source(%dma_start3A_201 : memref<12800000xf32, #tpu.memory_space<hbm>>) target(%dma_start3A_197 : memref<128xf32, #tpu.memory_space<vmem>>) offsets(%dma_start3A_199 : memref<128xi32, #tpu.memory_space<vmem>>) semaphore(%arg17 : memref<!tpu.dma_semaphore, #tpu.memory_space<semaphore_mem>>)
      %dma_start3A_202 = arith.constant 1664 : i32
      %dma_start3A_203 = tpu.memref_slice %arg14[%dma_start3A_202] : memref<2048xf32, #tpu.memory_space<vmem>> -> memref<128xf32, #tpu.memory_space<vmem>>
      %dma_start3A_204 = arith.constant 1664 : i32
      %dma_start3A_205 = tpu.memref_slice %arg12[%dma_start3A_204] : memref<2048xi32, #tpu.memory_space<vmem>> -> memref<128xi32, #tpu.memory_space<vmem>>
      %dma_start3A_206 = arith.constant 0 : i32
      %dma_start3A_207 = tpu.memref_slice %arg5[%dma_start3A_206] : memref<12800000xf32, #tpu.memory_space<hbm>> -> memref<12800000xf32, #tpu.memory_space<hbm>>
      tpu.enqueue_indirect_dma source(%dma_start3A_207 : memref<12800000xf32, #tpu.memory_space<hbm>>) target(%dma_start3A_203 : memref<128xf32, #tpu.memory_space<vmem>>) offsets(%dma_start3A_205 : memref<128xi32, #tpu.memory_space<vmem>>) semaphore(%arg17 : memref<!tpu.dma_semaphore, #tpu.memory_space<semaphore_mem>>)
      %dma_start3A_208 = arith.constant 1792 : i32
      %dma_start3A_209 = tpu.memref_slice %arg13[%dma_start3A_208] : memref<2048xf32, #tpu.memory_space<vmem>> -> memref<128xf32, #tpu.memory_space<vmem>>
      %dma_start3A_210 = arith.constant 1792 : i32
      %dma_start3A_211 = tpu.memref_slice %arg11[%dma_start3A_210] : memref<2048xi32, #tpu.memory_space<vmem>> -> memref<128xi32, #tpu.memory_space<vmem>>
      %dma_start3A_212 = arith.constant 0 : i32
      %dma_start3A_213 = tpu.memref_slice %arg5[%dma_start3A_212] : memref<12800000xf32, #tpu.memory_space<hbm>> -> memref<12800000xf32, #tpu.memory_space<hbm>>
      tpu.enqueue_indirect_dma source(%dma_start3A_213 : memref<12800000xf32, #tpu.memory_space<hbm>>) target(%dma_start3A_209 : memref<128xf32, #tpu.memory_space<vmem>>) offsets(%dma_start3A_211 : memref<128xi32, #tpu.memory_space<vmem>>) semaphore(%arg17 : memref<!tpu.dma_semaphore, #tpu.memory_space<semaphore_mem>>)
      %dma_start3A_214 = arith.constant 1792 : i32
      %dma_start3A_215 = tpu.memref_slice %arg14[%dma_start3A_214] : memref<2048xf32, #tpu.memory_space<vmem>> -> memref<128xf32, #tpu.memory_space<vmem>>
      %dma_start3A_216 = arith.constant 1792 : i32
      %dma_start3A_217 = tpu.memref_slice %arg12[%dma_start3A_216] : memref<2048xi32, #tpu.memory_space<vmem>> -> memref<128xi32, #tpu.memory_space<vmem>>
      %dma_start3A_218 = arith.constant 0 : i32
      %dma_start3A_219 = tpu.memref_slice %arg5[%dma_start3A_218] : memref<12800000xf32, #tpu.memory_space<hbm>> -> memref<12800000xf32, #tpu.memory_space<hbm>>
      tpu.enqueue_indirect_dma source(%dma_start3A_219 : memref<12800000xf32, #tpu.memory_space<hbm>>) target(%dma_start3A_215 : memref<128xf32, #tpu.memory_space<vmem>>) offsets(%dma_start3A_217 : memref<128xi32, #tpu.memory_space<vmem>>) semaphore(%arg17 : memref<!tpu.dma_semaphore, #tpu.memory_space<semaphore_mem>>)
      %dma_start3A_220 = arith.constant 1920 : i32
      %dma_start3A_221 = tpu.memref_slice %arg13[%dma_start3A_220] : memref<2048xf32, #tpu.memory_space<vmem>> -> memref<128xf32, #tpu.memory_space<vmem>>
      %dma_start3A_222 = arith.constant 1920 : i32
      %dma_start3A_223 = tpu.memref_slice %arg11[%dma_start3A_222] : memref<2048xi32, #tpu.memory_space<vmem>> -> memref<128xi32, #tpu.memory_space<vmem>>
      %dma_start3A_224 = arith.constant 0 : i32
      %dma_start3A_225 = tpu.memref_slice %arg5[%dma_start3A_224] : memref<12800000xf32, #tpu.memory_space<hbm>> -> memref<12800000xf32, #tpu.memory_space<hbm>>
      tpu.enqueue_indirect_dma source(%dma_start3A_225 : memref<12800000xf32, #tpu.memory_space<hbm>>) target(%dma_start3A_221 : memref<128xf32, #tpu.memory_space<vmem>>) offsets(%dma_start3A_223 : memref<128xi32, #tpu.memory_space<vmem>>) semaphore(%arg17 : memref<!tpu.dma_semaphore, #tpu.memory_space<semaphore_mem>>)
      %dma_start3A_226 = arith.constant 1920 : i32
      %dma_start3A_227 = tpu.memref_slice %arg14[%dma_start3A_226] : memref<2048xf32, #tpu.memory_space<vmem>> -> memref<128xf32, #tpu.memory_space<vmem>>
      %dma_start3A_228 = arith.constant 1920 : i32
      %dma_start3A_229 = tpu.memref_slice %arg12[%dma_start3A_228] : memref<2048xi32, #tpu.memory_space<vmem>> -> memref<128xi32, #tpu.memory_space<vmem>>
      %dma_start3A_230 = arith.constant 0 : i32
      %dma_start3A_231 = tpu.memref_slice %arg5[%dma_start3A_230] : memref<12800000xf32, #tpu.memory_space<hbm>> -> memref<12800000xf32, #tpu.memory_space<hbm>>
      tpu.enqueue_indirect_dma source(%dma_start3A_231 : memref<12800000xf32, #tpu.memory_space<hbm>>) target(%dma_start3A_227 : memref<128xf32, #tpu.memory_space<vmem>>) offsets(%dma_start3A_229 : memref<128xi32, #tpu.memory_space<vmem>>) semaphore(%arg17 : memref<!tpu.dma_semaphore, #tpu.memory_space<semaphore_mem>>)
      %dma_wait3A = arith.constant 0 : i32
      %dma_wait3A_232 = tpu.memref_slice %arg13[%dma_wait3A] : memref<2048xf32, #tpu.memory_space<vmem>> -> memref<128xf32, #tpu.memory_space<vmem>>
      %dma_wait3A_233 = arith.constant 0 : i32
      %dma_wait3A_234 = tpu.memref_slice %arg11[%dma_wait3A_233] : memref<2048xi32, #tpu.memory_space<vmem>> -> memref<128xi32, #tpu.memory_space<vmem>>
      %dma_wait3A_235 = arith.constant 0 : i32
      %dma_wait3A_236 = tpu.memref_slice %arg5[%dma_wait3A_235] : memref<12800000xf32, #tpu.memory_space<hbm>> -> memref<12800000xf32, #tpu.memory_space<hbm>>
      tpu.wait_indirect_dma semaphore(%arg17 : memref<!tpu.dma_semaphore, #tpu.memory_space<semaphore_mem>>) src(%dma_wait3A_236 : memref<12800000xf32, #tpu.memory_space<hbm>>) dst(%dma_wait3A_232 : memref<128xf32, #tpu.memory_space<vmem>>)
      %dma_wait3A_237 = arith.constant 0 : i32
      %dma_wait3A_238 = tpu.memref_slice %arg14[%dma_wait3A_237] : memref<2048xf32, #tpu.memory_space<vmem>> -> memref<128xf32, #tpu.memory_space<vmem>>
      %dma_wait3A_239 = arith.constant 0 : i32
      %dma_wait3A_240 = tpu.memref_slice %arg12[%dma_wait3A_239] : memref<2048xi32, #tpu.memory_space<vmem>> -> memref<128xi32, #tpu.memory_space<vmem>>
      %dma_wait3A_241 = arith.constant 0 : i32
      %dma_wait3A_242 = tpu.memref_slice %arg5[%dma_wait3A_241] : memref<12800000xf32, #tpu.memory_space<hbm>> -> memref<12800000xf32, #tpu.memory_space<hbm>>
      tpu.wait_indirect_dma semaphore(%arg17 : memref<!tpu.dma_semaphore, #tpu.memory_space<semaphore_mem>>) src(%dma_wait3A_242 : memref<12800000xf32, #tpu.memory_space<hbm>>) dst(%dma_wait3A_238 : memref<128xf32, #tpu.memory_space<vmem>>)
      %dma_wait3A_243 = arith.constant 128 : i32
      %dma_wait3A_244 = tpu.memref_slice %arg13[%dma_wait3A_243] : memref<2048xf32, #tpu.memory_space<vmem>> -> memref<128xf32, #tpu.memory_space<vmem>>
      %dma_wait3A_245 = arith.constant 128 : i32
      %dma_wait3A_246 = tpu.memref_slice %arg11[%dma_wait3A_245] : memref<2048xi32, #tpu.memory_space<vmem>> -> memref<128xi32, #tpu.memory_space<vmem>>
      %dma_wait3A_247 = arith.constant 0 : i32
      %dma_wait3A_248 = tpu.memref_slice %arg5[%dma_wait3A_247] : memref<12800000xf32, #tpu.memory_space<hbm>> -> memref<12800000xf32, #tpu.memory_space<hbm>>
      tpu.wait_indirect_dma semaphore(%arg17 : memref<!tpu.dma_semaphore, #tpu.memory_space<semaphore_mem>>) src(%dma_wait3A_248 : memref<12800000xf32, #tpu.memory_space<hbm>>) dst(%dma_wait3A_244 : memref<128xf32, #tpu.memory_space<vmem>>)
      %dma_wait3A_249 = arith.constant 128 : i32
      %dma_wait3A_250 = tpu.memref_slice %arg14[%dma_wait3A_249] : memref<2048xf32, #tpu.memory_space<vmem>> -> memref<128xf32, #tpu.memory_space<vmem>>
      %dma_wait3A_251 = arith.constant 128 : i32
      %dma_wait3A_252 = tpu.memref_slice %arg12[%dma_wait3A_251] : memref<2048xi32, #tpu.memory_space<vmem>> -> memref<128xi32, #tpu.memory_space<vmem>>
      %dma_wait3A_253 = arith.constant 0 : i32
      %dma_wait3A_254 = tpu.memref_slice %arg5[%dma_wait3A_253] : memref<12800000xf32, #tpu.memory_space<hbm>> -> memref<12800000xf32, #tpu.memory_space<hbm>>
      tpu.wait_indirect_dma semaphore(%arg17 : memref<!tpu.dma_semaphore, #tpu.memory_space<semaphore_mem>>) src(%dma_wait3A_254 : memref<12800000xf32, #tpu.memory_space<hbm>>) dst(%dma_wait3A_250 : memref<128xf32, #tpu.memory_space<vmem>>)
      %dma_wait3A_255 = arith.constant 256 : i32
      %dma_wait3A_256 = tpu.memref_slice %arg13[%dma_wait3A_255] : memref<2048xf32, #tpu.memory_space<vmem>> -> memref<128xf32, #tpu.memory_space<vmem>>
      %dma_wait3A_257 = arith.constant 256 : i32
      %dma_wait3A_258 = tpu.memref_slice %arg11[%dma_wait3A_257] : memref<2048xi32, #tpu.memory_space<vmem>> -> memref<128xi32, #tpu.memory_space<vmem>>
      %dma_wait3A_259 = arith.constant 0 : i32
      %dma_wait3A_260 = tpu.memref_slice %arg5[%dma_wait3A_259] : memref<12800000xf32, #tpu.memory_space<hbm>> -> memref<12800000xf32, #tpu.memory_space<hbm>>
      tpu.wait_indirect_dma semaphore(%arg17 : memref<!tpu.dma_semaphore, #tpu.memory_space<semaphore_mem>>) src(%dma_wait3A_260 : memref<12800000xf32, #tpu.memory_space<hbm>>) dst(%dma_wait3A_256 : memref<128xf32, #tpu.memory_space<vmem>>)
      %dma_wait3A_261 = arith.constant 256 : i32
      %dma_wait3A_262 = tpu.memref_slice %arg14[%dma_wait3A_261] : memref<2048xf32, #tpu.memory_space<vmem>> -> memref<128xf32, #tpu.memory_space<vmem>>
      %dma_wait3A_263 = arith.constant 256 : i32
      %dma_wait3A_264 = tpu.memref_slice %arg12[%dma_wait3A_263] : memref<2048xi32, #tpu.memory_space<vmem>> -> memref<128xi32, #tpu.memory_space<vmem>>
      %dma_wait3A_265 = arith.constant 0 : i32
      %dma_wait3A_266 = tpu.memref_slice %arg5[%dma_wait3A_265] : memref<12800000xf32, #tpu.memory_space<hbm>> -> memref<12800000xf32, #tpu.memory_space<hbm>>
      tpu.wait_indirect_dma semaphore(%arg17 : memref<!tpu.dma_semaphore, #tpu.memory_space<semaphore_mem>>) src(%dma_wait3A_266 : memref<12800000xf32, #tpu.memory_space<hbm>>) dst(%dma_wait3A_262 : memref<128xf32, #tpu.memory_space<vmem>>)
      %dma_wait3A_267 = arith.constant 384 : i32
      %dma_wait3A_268 = tpu.memref_slice %arg13[%dma_wait3A_267] : memref<2048xf32, #tpu.memory_space<vmem>> -> memref<128xf32, #tpu.memory_space<vmem>>
      %dma_wait3A_269 = arith.constant 384 : i32
      %dma_wait3A_270 = tpu.memref_slice %arg11[%dma_wait3A_269] : memref<2048xi32, #tpu.memory_space<vmem>> -> memref<128xi32, #tpu.memory_space<vmem>>
      %dma_wait3A_271 = arith.constant 0 : i32
      %dma_wait3A_272 = tpu.memref_slice %arg5[%dma_wait3A_271] : memref<12800000xf32, #tpu.memory_space<hbm>> -> memref<12800000xf32, #tpu.memory_space<hbm>>
      tpu.wait_indirect_dma semaphore(%arg17 : memref<!tpu.dma_semaphore, #tpu.memory_space<semaphore_mem>>) src(%dma_wait3A_272 : memref<12800000xf32, #tpu.memory_space<hbm>>) dst(%dma_wait3A_268 : memref<128xf32, #tpu.memory_space<vmem>>)
      %dma_wait3A_273 = arith.constant 384 : i32
      %dma_wait3A_274 = tpu.memref_slice %arg14[%dma_wait3A_273] : memref<2048xf32, #tpu.memory_space<vmem>> -> memref<128xf32, #tpu.memory_space<vmem>>
      %dma_wait3A_275 = arith.constant 384 : i32
      %dma_wait3A_276 = tpu.memref_slice %arg12[%dma_wait3A_275] : memref<2048xi32, #tpu.memory_space<vmem>> -> memref<128xi32, #tpu.memory_space<vmem>>
      %dma_wait3A_277 = arith.constant 0 : i32
      %dma_wait3A_278 = tpu.memref_slice %arg5[%dma_wait3A_277] : memref<12800000xf32, #tpu.memory_space<hbm>> -> memref<12800000xf32, #tpu.memory_space<hbm>>
      tpu.wait_indirect_dma semaphore(%arg17 : memref<!tpu.dma_semaphore, #tpu.memory_space<semaphore_mem>>) src(%dma_wait3A_278 : memref<12800000xf32, #tpu.memory_space<hbm>>) dst(%dma_wait3A_274 : memref<128xf32, #tpu.memory_space<vmem>>)
      %dma_wait3A_279 = arith.constant 512 : i32
      %dma_wait3A_280 = tpu.memref_slice %arg13[%dma_wait3A_279] : memref<2048xf32, #tpu.memory_space<vmem>> -> memref<128xf32, #tpu.memory_space<vmem>>
      %dma_wait3A_281 = arith.constant 512 : i32
      %dma_wait3A_282 = tpu.memref_slice %arg11[%dma_wait3A_281] : memref<2048xi32, #tpu.memory_space<vmem>> -> memref<128xi32, #tpu.memory_space<vmem>>
      %dma_wait3A_283 = arith.constant 0 : i32
      %dma_wait3A_284 = tpu.memref_slice %arg5[%dma_wait3A_283] : memref<12800000xf32, #tpu.memory_space<hbm>> -> memref<12800000xf32, #tpu.memory_space<hbm>>
      tpu.wait_indirect_dma semaphore(%arg17 : memref<!tpu.dma_semaphore, #tpu.memory_space<semaphore_mem>>) src(%dma_wait3A_284 : memref<12800000xf32, #tpu.memory_space<hbm>>) dst(%dma_wait3A_280 : memref<128xf32, #tpu.memory_space<vmem>>)
      %dma_wait3A_285 = arith.constant 512 : i32
      %dma_wait3A_286 = tpu.memref_slice %arg14[%dma_wait3A_285] : memref<2048xf32, #tpu.memory_space<vmem>> -> memref<128xf32, #tpu.memory_space<vmem>>
      %dma_wait3A_287 = arith.constant 512 : i32
      %dma_wait3A_288 = tpu.memref_slice %arg12[%dma_wait3A_287] : memref<2048xi32, #tpu.memory_space<vmem>> -> memref<128xi32, #tpu.memory_space<vmem>>
      %dma_wait3A_289 = arith.constant 0 : i32
      %dma_wait3A_290 = tpu.memref_slice %arg5[%dma_wait3A_289] : memref<12800000xf32, #tpu.memory_space<hbm>> -> memref<12800000xf32, #tpu.memory_space<hbm>>
      tpu.wait_indirect_dma semaphore(%arg17 : memref<!tpu.dma_semaphore, #tpu.memory_space<semaphore_mem>>) src(%dma_wait3A_290 : memref<12800000xf32, #tpu.memory_space<hbm>>) dst(%dma_wait3A_286 : memref<128xf32, #tpu.memory_space<vmem>>)
      %dma_wait3A_291 = arith.constant 640 : i32
      %dma_wait3A_292 = tpu.memref_slice %arg13[%dma_wait3A_291] : memref<2048xf32, #tpu.memory_space<vmem>> -> memref<128xf32, #tpu.memory_space<vmem>>
      %dma_wait3A_293 = arith.constant 640 : i32
      %dma_wait3A_294 = tpu.memref_slice %arg11[%dma_wait3A_293] : memref<2048xi32, #tpu.memory_space<vmem>> -> memref<128xi32, #tpu.memory_space<vmem>>
      %dma_wait3A_295 = arith.constant 0 : i32
      %dma_wait3A_296 = tpu.memref_slice %arg5[%dma_wait3A_295] : memref<12800000xf32, #tpu.memory_space<hbm>> -> memref<12800000xf32, #tpu.memory_space<hbm>>
      tpu.wait_indirect_dma semaphore(%arg17 : memref<!tpu.dma_semaphore, #tpu.memory_space<semaphore_mem>>) src(%dma_wait3A_296 : memref<12800000xf32, #tpu.memory_space<hbm>>) dst(%dma_wait3A_292 : memref<128xf32, #tpu.memory_space<vmem>>)
      %dma_wait3A_297 = arith.constant 640 : i32
      %dma_wait3A_298 = tpu.memref_slice %arg14[%dma_wait3A_297] : memref<2048xf32, #tpu.memory_space<vmem>> -> memref<128xf32, #tpu.memory_space<vmem>>
      %dma_wait3A_299 = arith.constant 640 : i32
      %dma_wait3A_300 = tpu.memref_slice %arg12[%dma_wait3A_299] : memref<2048xi32, #tpu.memory_space<vmem>> -> memref<128xi32, #tpu.memory_space<vmem>>
      %dma_wait3A_301 = arith.constant 0 : i32
      %dma_wait3A_302 = tpu.memref_slice %arg5[%dma_wait3A_301] : memref<12800000xf32, #tpu.memory_space<hbm>> -> memref<12800000xf32, #tpu.memory_space<hbm>>
      tpu.wait_indirect_dma semaphore(%arg17 : memref<!tpu.dma_semaphore, #tpu.memory_space<semaphore_mem>>) src(%dma_wait3A_302 : memref<12800000xf32, #tpu.memory_space<hbm>>) dst(%dma_wait3A_298 : memref<128xf32, #tpu.memory_space<vmem>>)
      %dma_wait3A_303 = arith.constant 768 : i32
      %dma_wait3A_304 = tpu.memref_slice %arg13[%dma_wait3A_303] : memref<2048xf32, #tpu.memory_space<vmem>> -> memref<128xf32, #tpu.memory_space<vmem>>
      %dma_wait3A_305 = arith.constant 768 : i32
      %dma_wait3A_306 = tpu.memref_slice %arg11[%dma_wait3A_305] : memref<2048xi32, #tpu.memory_space<vmem>> -> memref<128xi32, #tpu.memory_space<vmem>>
      %dma_wait3A_307 = arith.constant 0 : i32
      %dma_wait3A_308 = tpu.memref_slice %arg5[%dma_wait3A_307] : memref<12800000xf32, #tpu.memory_space<hbm>> -> memref<12800000xf32, #tpu.memory_space<hbm>>
      tpu.wait_indirect_dma semaphore(%arg17 : memref<!tpu.dma_semaphore, #tpu.memory_space<semaphore_mem>>) src(%dma_wait3A_308 : memref<12800000xf32, #tpu.memory_space<hbm>>) dst(%dma_wait3A_304 : memref<128xf32, #tpu.memory_space<vmem>>)
      %dma_wait3A_309 = arith.constant 768 : i32
      %dma_wait3A_310 = tpu.memref_slice %arg14[%dma_wait3A_309] : memref<2048xf32, #tpu.memory_space<vmem>> -> memref<128xf32, #tpu.memory_space<vmem>>
      %dma_wait3A_311 = arith.constant 768 : i32
      %dma_wait3A_312 = tpu.memref_slice %arg12[%dma_wait3A_311] : memref<2048xi32, #tpu.memory_space<vmem>> -> memref<128xi32, #tpu.memory_space<vmem>>
      %dma_wait3A_313 = arith.constant 0 : i32
      %dma_wait3A_314 = tpu.memref_slice %arg5[%dma_wait3A_313] : memref<12800000xf32, #tpu.memory_space<hbm>> -> memref<12800000xf32, #tpu.memory_space<hbm>>
      tpu.wait_indirect_dma semaphore(%arg17 : memref<!tpu.dma_semaphore, #tpu.memory_space<semaphore_mem>>) src(%dma_wait3A_314 : memref<12800000xf32, #tpu.memory_space<hbm>>) dst(%dma_wait3A_310 : memref<128xf32, #tpu.memory_space<vmem>>)
      %dma_wait3A_315 = arith.constant 896 : i32
      %dma_wait3A_316 = tpu.memref_slice %arg13[%dma_wait3A_315] : memref<2048xf32, #tpu.memory_space<vmem>> -> memref<128xf32, #tpu.memory_space<vmem>>
      %dma_wait3A_317 = arith.constant 896 : i32
      %dma_wait3A_318 = tpu.memref_slice %arg11[%dma_wait3A_317] : memref<2048xi32, #tpu.memory_space<vmem>> -> memref<128xi32, #tpu.memory_space<vmem>>
      %dma_wait3A_319 = arith.constant 0 : i32
      %dma_wait3A_320 = tpu.memref_slice %arg5[%dma_wait3A_319] : memref<12800000xf32, #tpu.memory_space<hbm>> -> memref<12800000xf32, #tpu.memory_space<hbm>>
      tpu.wait_indirect_dma semaphore(%arg17 : memref<!tpu.dma_semaphore, #tpu.memory_space<semaphore_mem>>) src(%dma_wait3A_320 : memref<12800000xf32, #tpu.memory_space<hbm>>) dst(%dma_wait3A_316 : memref<128xf32, #tpu.memory_space<vmem>>)
      %dma_wait3A_321 = arith.constant 896 : i32
      %dma_wait3A_322 = tpu.memref_slice %arg14[%dma_wait3A_321] : memref<2048xf32, #tpu.memory_space<vmem>> -> memref<128xf32, #tpu.memory_space<vmem>>
      %dma_wait3A_323 = arith.constant 896 : i32
      %dma_wait3A_324 = tpu.memref_slice %arg12[%dma_wait3A_323] : memref<2048xi32, #tpu.memory_space<vmem>> -> memref<128xi32, #tpu.memory_space<vmem>>
      %dma_wait3A_325 = arith.constant 0 : i32
      %dma_wait3A_326 = tpu.memref_slice %arg5[%dma_wait3A_325] : memref<12800000xf32, #tpu.memory_space<hbm>> -> memref<12800000xf32, #tpu.memory_space<hbm>>
      tpu.wait_indirect_dma semaphore(%arg17 : memref<!tpu.dma_semaphore, #tpu.memory_space<semaphore_mem>>) src(%dma_wait3A_326 : memref<12800000xf32, #tpu.memory_space<hbm>>) dst(%dma_wait3A_322 : memref<128xf32, #tpu.memory_space<vmem>>)
      %dma_wait3A_327 = arith.constant 1024 : i32
      %dma_wait3A_328 = tpu.memref_slice %arg13[%dma_wait3A_327] : memref<2048xf32, #tpu.memory_space<vmem>> -> memref<128xf32, #tpu.memory_space<vmem>>
      %dma_wait3A_329 = arith.constant 1024 : i32
      %dma_wait3A_330 = tpu.memref_slice %arg11[%dma_wait3A_329] : memref<2048xi32, #tpu.memory_space<vmem>> -> memref<128xi32, #tpu.memory_space<vmem>>
      %dma_wait3A_331 = arith.constant 0 : i32
      %dma_wait3A_332 = tpu.memref_slice %arg5[%dma_wait3A_331] : memref<12800000xf32, #tpu.memory_space<hbm>> -> memref<12800000xf32, #tpu.memory_space<hbm>>
      tpu.wait_indirect_dma semaphore(%arg17 : memref<!tpu.dma_semaphore, #tpu.memory_space<semaphore_mem>>) src(%dma_wait3A_332 : memref<12800000xf32, #tpu.memory_space<hbm>>) dst(%dma_wait3A_328 : memref<128xf32, #tpu.memory_space<vmem>>)
      %dma_wait3A_333 = arith.constant 1024 : i32
      %dma_wait3A_334 = tpu.memref_slice %arg14[%dma_wait3A_333] : memref<2048xf32, #tpu.memory_space<vmem>> -> memref<128xf32, #tpu.memory_space<vmem>>
      %dma_wait3A_335 = arith.constant 1024 : i32
      %dma_wait3A_336 = tpu.memref_slice %arg12[%dma_wait3A_335] : memref<2048xi32, #tpu.memory_space<vmem>> -> memref<128xi32, #tpu.memory_space<vmem>>
      %dma_wait3A_337 = arith.constant 0 : i32
      %dma_wait3A_338 = tpu.memref_slice %arg5[%dma_wait3A_337] : memref<12800000xf32, #tpu.memory_space<hbm>> -> memref<12800000xf32, #tpu.memory_space<hbm>>
      tpu.wait_indirect_dma semaphore(%arg17 : memref<!tpu.dma_semaphore, #tpu.memory_space<semaphore_mem>>) src(%dma_wait3A_338 : memref<12800000xf32, #tpu.memory_space<hbm>>) dst(%dma_wait3A_334 : memref<128xf32, #tpu.memory_space<vmem>>)
      %dma_wait3A_339 = arith.constant 1152 : i32
      %dma_wait3A_340 = tpu.memref_slice %arg13[%dma_wait3A_339] : memref<2048xf32, #tpu.memory_space<vmem>> -> memref<128xf32, #tpu.memory_space<vmem>>
      %dma_wait3A_341 = arith.constant 1152 : i32
      %dma_wait3A_342 = tpu.memref_slice %arg11[%dma_wait3A_341] : memref<2048xi32, #tpu.memory_space<vmem>> -> memref<128xi32, #tpu.memory_space<vmem>>
      %dma_wait3A_343 = arith.constant 0 : i32
      %dma_wait3A_344 = tpu.memref_slice %arg5[%dma_wait3A_343] : memref<12800000xf32, #tpu.memory_space<hbm>> -> memref<12800000xf32, #tpu.memory_space<hbm>>
      tpu.wait_indirect_dma semaphore(%arg17 : memref<!tpu.dma_semaphore, #tpu.memory_space<semaphore_mem>>) src(%dma_wait3A_344 : memref<12800000xf32, #tpu.memory_space<hbm>>) dst(%dma_wait3A_340 : memref<128xf32, #tpu.memory_space<vmem>>)
      %dma_wait3A_345 = arith.constant 1152 : i32
      %dma_wait3A_346 = tpu.memref_slice %arg14[%dma_wait3A_345] : memref<2048xf32, #tpu.memory_space<vmem>> -> memref<128xf32, #tpu.memory_space<vmem>>
      %dma_wait3A_347 = arith.constant 1152 : i32
      %dma_wait3A_348 = tpu.memref_slice %arg12[%dma_wait3A_347] : memref<2048xi32, #tpu.memory_space<vmem>> -> memref<128xi32, #tpu.memory_space<vmem>>
      %dma_wait3A_349 = arith.constant 0 : i32
      %dma_wait3A_350 = tpu.memref_slice %arg5[%dma_wait3A_349] : memref<12800000xf32, #tpu.memory_space<hbm>> -> memref<12800000xf32, #tpu.memory_space<hbm>>
      tpu.wait_indirect_dma semaphore(%arg17 : memref<!tpu.dma_semaphore, #tpu.memory_space<semaphore_mem>>) src(%dma_wait3A_350 : memref<12800000xf32, #tpu.memory_space<hbm>>) dst(%dma_wait3A_346 : memref<128xf32, #tpu.memory_space<vmem>>)
      %dma_wait3A_351 = arith.constant 1280 : i32
      %dma_wait3A_352 = tpu.memref_slice %arg13[%dma_wait3A_351] : memref<2048xf32, #tpu.memory_space<vmem>> -> memref<128xf32, #tpu.memory_space<vmem>>
      %dma_wait3A_353 = arith.constant 1280 : i32
      %dma_wait3A_354 = tpu.memref_slice %arg11[%dma_wait3A_353] : memref<2048xi32, #tpu.memory_space<vmem>> -> memref<128xi32, #tpu.memory_space<vmem>>
      %dma_wait3A_355 = arith.constant 0 : i32
      %dma_wait3A_356 = tpu.memref_slice %arg5[%dma_wait3A_355] : memref<12800000xf32, #tpu.memory_space<hbm>> -> memref<12800000xf32, #tpu.memory_space<hbm>>
      tpu.wait_indirect_dma semaphore(%arg17 : memref<!tpu.dma_semaphore, #tpu.memory_space<semaphore_mem>>) src(%dma_wait3A_356 : memref<12800000xf32, #tpu.memory_space<hbm>>) dst(%dma_wait3A_352 : memref<128xf32, #tpu.memory_space<vmem>>)
      %dma_wait3A_357 = arith.constant 1280 : i32
      %dma_wait3A_358 = tpu.memref_slice %arg14[%dma_wait3A_357] : memref<2048xf32, #tpu.memory_space<vmem>> -> memref<128xf32, #tpu.memory_space<vmem>>
      %dma_wait3A_359 = arith.constant 1280 : i32
      %dma_wait3A_360 = tpu.memref_slice %arg12[%dma_wait3A_359] : memref<2048xi32, #tpu.memory_space<vmem>> -> memref<128xi32, #tpu.memory_space<vmem>>
      %dma_wait3A_361 = arith.constant 0 : i32
      %dma_wait3A_362 = tpu.memref_slice %arg5[%dma_wait3A_361] : memref<12800000xf32, #tpu.memory_space<hbm>> -> memref<12800000xf32, #tpu.memory_space<hbm>>
      tpu.wait_indirect_dma semaphore(%arg17 : memref<!tpu.dma_semaphore, #tpu.memory_space<semaphore_mem>>) src(%dma_wait3A_362 : memref<12800000xf32, #tpu.memory_space<hbm>>) dst(%dma_wait3A_358 : memref<128xf32, #tpu.memory_space<vmem>>)
      %dma_wait3A_363 = arith.constant 1408 : i32
      %dma_wait3A_364 = tpu.memref_slice %arg13[%dma_wait3A_363] : memref<2048xf32, #tpu.memory_space<vmem>> -> memref<128xf32, #tpu.memory_space<vmem>>
      %dma_wait3A_365 = arith.constant 1408 : i32
      %dma_wait3A_366 = tpu.memref_slice %arg11[%dma_wait3A_365] : memref<2048xi32, #tpu.memory_space<vmem>> -> memref<128xi32, #tpu.memory_space<vmem>>
      %dma_wait3A_367 = arith.constant 0 : i32
      %dma_wait3A_368 = tpu.memref_slice %arg5[%dma_wait3A_367] : memref<12800000xf32, #tpu.memory_space<hbm>> -> memref<12800000xf32, #tpu.memory_space<hbm>>
      tpu.wait_indirect_dma semaphore(%arg17 : memref<!tpu.dma_semaphore, #tpu.memory_space<semaphore_mem>>) src(%dma_wait3A_368 : memref<12800000xf32, #tpu.memory_space<hbm>>) dst(%dma_wait3A_364 : memref<128xf32, #tpu.memory_space<vmem>>)
      %dma_wait3A_369 = arith.constant 1408 : i32
      %dma_wait3A_370 = tpu.memref_slice %arg14[%dma_wait3A_369] : memref<2048xf32, #tpu.memory_space<vmem>> -> memref<128xf32, #tpu.memory_space<vmem>>
      %dma_wait3A_371 = arith.constant 1408 : i32
      %dma_wait3A_372 = tpu.memref_slice %arg12[%dma_wait3A_371] : memref<2048xi32, #tpu.memory_space<vmem>> -> memref<128xi32, #tpu.memory_space<vmem>>
      %dma_wait3A_373 = arith.constant 0 : i32
      %dma_wait3A_374 = tpu.memref_slice %arg5[%dma_wait3A_373] : memref<12800000xf32, #tpu.memory_space<hbm>> -> memref<12800000xf32, #tpu.memory_space<hbm>>
      tpu.wait_indirect_dma semaphore(%arg17 : memref<!tpu.dma_semaphore, #tpu.memory_space<semaphore_mem>>) src(%dma_wait3A_374 : memref<12800000xf32, #tpu.memory_space<hbm>>) dst(%dma_wait3A_370 : memref<128xf32, #tpu.memory_space<vmem>>)
      %dma_wait3A_375 = arith.constant 1536 : i32
      %dma_wait3A_376 = tpu.memref_slice %arg13[%dma_wait3A_375] : memref<2048xf32, #tpu.memory_space<vmem>> -> memref<128xf32, #tpu.memory_space<vmem>>
      %dma_wait3A_377 = arith.constant 1536 : i32
      %dma_wait3A_378 = tpu.memref_slice %arg11[%dma_wait3A_377] : memref<2048xi32, #tpu.memory_space<vmem>> -> memref<128xi32, #tpu.memory_space<vmem>>
      %dma_wait3A_379 = arith.constant 0 : i32
      %dma_wait3A_380 = tpu.memref_slice %arg5[%dma_wait3A_379] : memref<12800000xf32, #tpu.memory_space<hbm>> -> memref<12800000xf32, #tpu.memory_space<hbm>>
      tpu.wait_indirect_dma semaphore(%arg17 : memref<!tpu.dma_semaphore, #tpu.memory_space<semaphore_mem>>) src(%dma_wait3A_380 : memref<12800000xf32, #tpu.memory_space<hbm>>) dst(%dma_wait3A_376 : memref<128xf32, #tpu.memory_space<vmem>>)
      %dma_wait3A_381 = arith.constant 1536 : i32
      %dma_wait3A_382 = tpu.memref_slice %arg14[%dma_wait3A_381] : memref<2048xf32, #tpu.memory_space<vmem>> -> memref<128xf32, #tpu.memory_space<vmem>>
      %dma_wait3A_383 = arith.constant 1536 : i32
      %dma_wait3A_384 = tpu.memref_slice %arg12[%dma_wait3A_383] : memref<2048xi32, #tpu.memory_space<vmem>> -> memref<128xi32, #tpu.memory_space<vmem>>
      %dma_wait3A_385 = arith.constant 0 : i32
      %dma_wait3A_386 = tpu.memref_slice %arg5[%dma_wait3A_385] : memref<12800000xf32, #tpu.memory_space<hbm>> -> memref<12800000xf32, #tpu.memory_space<hbm>>
      tpu.wait_indirect_dma semaphore(%arg17 : memref<!tpu.dma_semaphore, #tpu.memory_space<semaphore_mem>>) src(%dma_wait3A_386 : memref<12800000xf32, #tpu.memory_space<hbm>>) dst(%dma_wait3A_382 : memref<128xf32, #tpu.memory_space<vmem>>)
      %dma_wait3A_387 = arith.constant 1664 : i32
      %dma_wait3A_388 = tpu.memref_slice %arg13[%dma_wait3A_387] : memref<2048xf32, #tpu.memory_space<vmem>> -> memref<128xf32, #tpu.memory_space<vmem>>
      %dma_wait3A_389 = arith.constant 1664 : i32
      %dma_wait3A_390 = tpu.memref_slice %arg11[%dma_wait3A_389] : memref<2048xi32, #tpu.memory_space<vmem>> -> memref<128xi32, #tpu.memory_space<vmem>>
      %dma_wait3A_391 = arith.constant 0 : i32
      %dma_wait3A_392 = tpu.memref_slice %arg5[%dma_wait3A_391] : memref<12800000xf32, #tpu.memory_space<hbm>> -> memref<12800000xf32, #tpu.memory_space<hbm>>
      tpu.wait_indirect_dma semaphore(%arg17 : memref<!tpu.dma_semaphore, #tpu.memory_space<semaphore_mem>>) src(%dma_wait3A_392 : memref<12800000xf32, #tpu.memory_space<hbm>>) dst(%dma_wait3A_388 : memref<128xf32, #tpu.memory_space<vmem>>)
      %dma_wait3A_393 = arith.constant 1664 : i32
      %dma_wait3A_394 = tpu.memref_slice %arg14[%dma_wait3A_393] : memref<2048xf32, #tpu.memory_space<vmem>> -> memref<128xf32, #tpu.memory_space<vmem>>
      %dma_wait3A_395 = arith.constant 1664 : i32
      %dma_wait3A_396 = tpu.memref_slice %arg12[%dma_wait3A_395] : memref<2048xi32, #tpu.memory_space<vmem>> -> memref<128xi32, #tpu.memory_space<vmem>>
      %dma_wait3A_397 = arith.constant 0 : i32
      %dma_wait3A_398 = tpu.memref_slice %arg5[%dma_wait3A_397] : memref<12800000xf32, #tpu.memory_space<hbm>> -> memref<12800000xf32, #tpu.memory_space<hbm>>
      tpu.wait_indirect_dma semaphore(%arg17 : memref<!tpu.dma_semaphore, #tpu.memory_space<semaphore_mem>>) src(%dma_wait3A_398 : memref<12800000xf32, #tpu.memory_space<hbm>>) dst(%dma_wait3A_394 : memref<128xf32, #tpu.memory_space<vmem>>)
      %dma_wait3A_399 = arith.constant 1792 : i32
      %dma_wait3A_400 = tpu.memref_slice %arg13[%dma_wait3A_399] : memref<2048xf32, #tpu.memory_space<vmem>> -> memref<128xf32, #tpu.memory_space<vmem>>
      %dma_wait3A_401 = arith.constant 1792 : i32
      %dma_wait3A_402 = tpu.memref_slice %arg11[%dma_wait3A_401] : memref<2048xi32, #tpu.memory_space<vmem>> -> memref<128xi32, #tpu.memory_space<vmem>>
      %dma_wait3A_403 = arith.constant 0 : i32
      %dma_wait3A_404 = tpu.memref_slice %arg5[%dma_wait3A_403] : memref<12800000xf32, #tpu.memory_space<hbm>> -> memref<12800000xf32, #tpu.memory_space<hbm>>
      tpu.wait_indirect_dma semaphore(%arg17 : memref<!tpu.dma_semaphore, #tpu.memory_space<semaphore_mem>>) src(%dma_wait3A_404 : memref<12800000xf32, #tpu.memory_space<hbm>>) dst(%dma_wait3A_400 : memref<128xf32, #tpu.memory_space<vmem>>)
      %dma_wait3A_405 = arith.constant 1792 : i32
      %dma_wait3A_406 = tpu.memref_slice %arg14[%dma_wait3A_405] : memref<2048xf32, #tpu.memory_space<vmem>> -> memref<128xf32, #tpu.memory_space<vmem>>
      %dma_wait3A_407 = arith.constant 1792 : i32
      %dma_wait3A_408 = tpu.memref_slice %arg12[%dma_wait3A_407] : memref<2048xi32, #tpu.memory_space<vmem>> -> memref<128xi32, #tpu.memory_space<vmem>>
      %dma_wait3A_409 = arith.constant 0 : i32
      %dma_wait3A_410 = tpu.memref_slice %arg5[%dma_wait3A_409] : memref<12800000xf32, #tpu.memory_space<hbm>> -> memref<12800000xf32, #tpu.memory_space<hbm>>
      tpu.wait_indirect_dma semaphore(%arg17 : memref<!tpu.dma_semaphore, #tpu.memory_space<semaphore_mem>>) src(%dma_wait3A_410 : memref<12800000xf32, #tpu.memory_space<hbm>>) dst(%dma_wait3A_406 : memref<128xf32, #tpu.memory_space<vmem>>)
      %dma_wait3A_411 = arith.constant 1920 : i32
      %dma_wait3A_412 = tpu.memref_slice %arg13[%dma_wait3A_411] : memref<2048xf32, #tpu.memory_space<vmem>> -> memref<128xf32, #tpu.memory_space<vmem>>
      %dma_wait3A_413 = arith.constant 1920 : i32
      %dma_wait3A_414 = tpu.memref_slice %arg11[%dma_wait3A_413] : memref<2048xi32, #tpu.memory_space<vmem>> -> memref<128xi32, #tpu.memory_space<vmem>>
      %dma_wait3A_415 = arith.constant 0 : i32
      %dma_wait3A_416 = tpu.memref_slice %arg5[%dma_wait3A_415] : memref<12800000xf32, #tpu.memory_space<hbm>> -> memref<12800000xf32, #tpu.memory_space<hbm>>
      tpu.wait_indirect_dma semaphore(%arg17 : memref<!tpu.dma_semaphore, #tpu.memory_space<semaphore_mem>>) src(%dma_wait3A_416 : memref<12800000xf32, #tpu.memory_space<hbm>>) dst(%dma_wait3A_412 : memref<128xf32, #tpu.memory_space<vmem>>)
      %dma_wait3A_417 = arith.constant 1920 : i32
      %dma_wait3A_418 = tpu.memref_slice %arg14[%dma_wait3A_417] : memref<2048xf32, #tpu.memory_space<vmem>> -> memref<128xf32, #tpu.memory_space<vmem>>
      %dma_wait3A_419 = arith.constant 1920 : i32
      %dma_wait3A_420 = tpu.memref_slice %arg12[%dma_wait3A_419] : memref<2048xi32, #tpu.memory_space<vmem>> -> memref<128xi32, #tpu.memory_space<vmem>>
      %dma_wait3A_421 = arith.constant 0 : i32
      %dma_wait3A_422 = tpu.memref_slice %arg5[%dma_wait3A_421] : memref<12800000xf32, #tpu.memory_space<hbm>> -> memref<12800000xf32, #tpu.memory_space<hbm>>
      tpu.wait_indirect_dma semaphore(%arg17 : memref<!tpu.dma_semaphore, #tpu.memory_space<semaphore_mem>>) src(%dma_wait3A_422 : memref<12800000xf32, #tpu.memory_space<hbm>>) dst(%dma_wait3A_418 : memref<128xf32, #tpu.memory_space<vmem>>)
      %scan3A_423 = arith.constant 0 : i32
      %scan3A_424 = arith.constant 128 : i32
      %scan3A_425 = arith.addi %scan3A_423, %scan3A_424 : i32
      %scan3A_426 = arith.constant 1 : i32
      %scan3A_427 = scf.for %scan3A_429 = %scan3A_423 to %scan3A_425 step %scan3A_426 iter_args(%scan3A_430 = %while3A_31) -> (vector<16xf32>)  : i32 {
        %mul3A_431 = arith.constant 16 : i32
        %mul3A_432 = arith.muli %scan3A_429, %mul3A_431 : i32
        %get3A = arith.index_cast %mul3A_432 : i32 to index
        %get3A_433 = tpu.vector_load %arg13[%get3A] {strides = array<i32>} : memref<2048xf32, #tpu.memory_space<vmem>>, vector<16xf32>,
        %add3A_434 = arith.addf %scan3A_430, %get3A_433 : vector<16xf32>
        %get3A_435 = arith.index_cast %mul3A_432 : i32 to index
        %get3A_436 = tpu.vector_load %arg14[%get3A_435] {strides = array<i32>} : memref<2048xf32, #tpu.memory_space<vmem>>, vector<16xf32>,
        %add3A_437 = arith.addf %add3A_434, %get3A_436 : vector<16xf32>
        scf.yield %add3A_437 : vector<16xf32>
      }
      %scan3A_428 = arith.constant 128 : i32
      scf.yield %scan3A_427 : vector<16xf32>
    }
    %while3A_27 = arith.constant 1 : i32
    %while3A_28 = scf.for %while3A_30 = %while3A_24 to %while3A_20 step %while3A_27 iter_args(%while3A_31 = %while3A_26) -> (vector<16xf32>)  : i32 {
      %add3A_32 = arith.addi %add3A_8, %while3A_30 : i32
      %mul3A_33 = arith.constant 2048 : i32
      %mul3A_34 = arith.muli %add3A_32, %mul3A_33 : i32
      "tpu.region"() ({
        %run_scoped3A = tpu.sem_alloc : memref<!tpu.dma_semaphore, #tpu.memory_space<semaphore_mem>>
        %dma_start3A_429 = tpu.memref_slice %arg2[%mul3A_34] : memref<6400000xi32, #tpu.memory_space<hbm>> -> memref<2048xi32, #tpu.memory_space<hbm>>
        %dma_start3A_430 = tpu.memref_slice %arg2[%mul3A_34] : memref<6400000xi32, #tpu.memory_space<hbm>> -> memref<2048xi32, #tpu.memory_space<hbm>>
        tpu.enqueue_dma source(%dma_start3A_430 : memref<2048xi32, #tpu.memory_space<hbm>>) target(%arg8 : memref<2048xi32, #tpu.memory_space<vmem>>) target_semaphore(%run_scoped3A : memref<!tpu.dma_semaphore, #tpu.memory_space<semaphore_mem>>)
        %dma_wait3A_431 = tpu.memref_slice %arg2[%mul3A_34] : memref<6400000xi32, #tpu.memory_space<hbm>> -> memref<2048xi32, #tpu.memory_space<hbm>>
        %dma_wait3A_432 = tpu.memref_slice %arg2[%mul3A_34] : memref<6400000xi32, #tpu.memory_space<hbm>> -> memref<2048xi32, #tpu.memory_space<hbm>>
        tpu.wait_dma2 semaphore(%run_scoped3A : memref<!tpu.dma_semaphore, #tpu.memory_space<semaphore_mem>>) src(%dma_wait3A_432 : memref<2048xi32, #tpu.memory_space<hbm>>) dst(%arg8 : memref<2048xi32, #tpu.memory_space<vmem>>)
        tpu.yield
      }) : () -> ()
      "tpu.region"() ({
        %run_scoped3A = tpu.sem_alloc : memref<!tpu.dma_semaphore, #tpu.memory_space<semaphore_mem>>
        %dma_start3A_429 = tpu.memref_slice %arg3[%mul3A_34] : memref<6400000xi32, #tpu.memory_space<hbm>> -> memref<2048xi32, #tpu.memory_space<hbm>>
        %dma_start3A_430 = tpu.memref_slice %arg3[%mul3A_34] : memref<6400000xi32, #tpu.memory_space<hbm>> -> memref<2048xi32, #tpu.memory_space<hbm>>
        tpu.enqueue_dma source(%dma_start3A_430 : memref<2048xi32, #tpu.memory_space<hbm>>) target(%arg9 : memref<2048xi32, #tpu.memory_space<vmem>>) target_semaphore(%run_scoped3A : memref<!tpu.dma_semaphore, #tpu.memory_space<semaphore_mem>>)
        %dma_wait3A_431 = tpu.memref_slice %arg3[%mul3A_34] : memref<6400000xi32, #tpu.memory_space<hbm>> -> memref<2048xi32, #tpu.memory_space<hbm>>
        %dma_wait3A_432 = tpu.memref_slice %arg3[%mul3A_34] : memref<6400000xi32, #tpu.memory_space<hbm>> -> memref<2048xi32, #tpu.memory_space<hbm>>
        tpu.wait_dma2 semaphore(%run_scoped3A : memref<!tpu.dma_semaphore, #tpu.memory_space<semaphore_mem>>) src(%dma_wait3A_432 : memref<2048xi32, #tpu.memory_space<hbm>>) dst(%arg9 : memref<2048xi32, #tpu.memory_space<vmem>>)
        tpu.yield
      }) : () -> ()
      "tpu.region"() ({
        %run_scoped3A = tpu.sem_alloc : memref<!tpu.dma_semaphore, #tpu.memory_space<semaphore_mem>>
        %dma_start3A_429 = tpu.memref_slice %arg4[%mul3A_34] : memref<6400000xi32, #tpu.memory_space<hbm>> -> memref<2048xi32, #tpu.memory_space<hbm>>
        %dma_start3A_430 = tpu.memref_slice %arg4[%mul3A_34] : memref<6400000xi32, #tpu.memory_space<hbm>> -> memref<2048xi32, #tpu.memory_space<hbm>>
        tpu.enqueue_dma source(%dma_start3A_430 : memref<2048xi32, #tpu.memory_space<hbm>>) target(%arg10 : memref<2048xi32, #tpu.memory_space<vmem>>) target_semaphore(%run_scoped3A : memref<!tpu.dma_semaphore, #tpu.memory_space<semaphore_mem>>)
        %dma_wait3A_431 = tpu.memref_slice %arg4[%mul3A_34] : memref<6400000xi32, #tpu.memory_space<hbm>> -> memref<2048xi32, #tpu.memory_space<hbm>>
        %dma_wait3A_432 = tpu.memref_slice %arg4[%mul3A_34] : memref<6400000xi32, #tpu.memory_space<hbm>> -> memref<2048xi32, #tpu.memory_space<hbm>>
        tpu.wait_dma2 semaphore(%run_scoped3A : memref<!tpu.dma_semaphore, #tpu.memory_space<semaphore_mem>>) src(%dma_wait3A_432 : memref<2048xi32, #tpu.memory_space<hbm>>) dst(%arg10 : memref<2048xi32, #tpu.memory_space<vmem>>)
        tpu.yield
      }) : () -> ()
      %scan3A_35 = arith.constant 0 : i32
      %scan3A_36 = arith.constant 0 : i32
      %scan3A_37 = arith.constant 128 : i32
      %scan3A_38 = arith.addi %scan3A_36, %scan3A_37 : i32
      %scan3A_39 = arith.constant 1 : i32
      scf.for %scan3A_429 = %scan3A_36 to %scan3A_38 step %scan3A_39  : i32 {
        %mul3A_430 = arith.constant 16 : i32
        %mul3A_431 = arith.muli %scan3A_429, %mul3A_430 : i32
        %get3A = arith.index_cast %mul3A_431 : i32 to index
        %get3A_432 = tpu.vector_load %arg8[%get3A] {strides = array<i32>} : memref<2048xi32, #tpu.memory_space<vmem>>, vector<16xi32>,
        %get3A_433 = arith.index_cast %mul3A_431 : i32 to index
        %get3A_434 = tpu.vector_load %arg9[%get3A_433] {strides = array<i32>} : memref<2048xi32, #tpu.memory_space<vmem>>, vector<16xi32>,
        %get3A_435 = arith.index_cast %mul3A_431 : i32 to index
        %get3A_436 = tpu.vector_load %arg10[%get3A_435] {strides = array<i32>} : memref<2048xi32, #tpu.memory_space<vmem>>, vector<16xi32>,
        %mul3A_437 = arith.constant 128 : i32
        %mul3A_438 = vector.broadcast %mul3A_437 : i32 to vector<16xi32>
        %mul3A_439 = arith.muli %get3A_432, %mul3A_438 : vector<16xi32>
        %add3A_440 = arith.addi %mul3A_439, %get3A_436 : vector<16xi32>
        %swap3A_441 = arith.index_cast %mul3A_431 : i32 to index
        %swap3A_442 = tpu.vector_load %arg11[%swap3A_441] {strides = array<i32>} : memref<2048xi32, #tpu.memory_space<vmem>>, vector<16xi32>,
        tpu.vector_store %arg11[%swap3A_441], %add3A_440 {strides = array<i32>} : memref<2048xi32, #tpu.memory_space<vmem>>, vector<16xi32>,
        %mul3A_443 = arith.constant 128 : i32
        %mul3A_444 = vector.broadcast %mul3A_443 : i32 to vector<16xi32>
        %mul3A_445 = arith.muli %get3A_434, %mul3A_444 : vector<16xi32>
        %add3A_446 = arith.addi %mul3A_445, %get3A_436 : vector<16xi32>
        %swap3A_447 = arith.index_cast %mul3A_431 : i32 to index
        %swap3A_448 = tpu.vector_load %arg12[%swap3A_447] {strides = array<i32>} : memref<2048xi32, #tpu.memory_space<vmem>>, vector<16xi32>,
        tpu.vector_store %arg12[%swap3A_447], %add3A_446 {strides = array<i32>} : memref<2048xi32, #tpu.memory_space<vmem>>, vector<16xi32>,
        tpu.vector_store_idx %arg15[%get3A_436, %iota3A], %broadcast_in_dim3A_9 {add = true} : memref<128x16xi32, #tpu.memory_space<vmem>>[vector<16xi32>, vector<16xi32>], vector<16xi32>,
      }
      %scan3A_40 = arith.constant 128 : i32
      %dma_start3A = arith.constant 0 : i32
      %dma_start3A_41 = tpu.memref_slice %arg13[%dma_start3A] : memref<2048xf32, #tpu.memory_space<vmem>> -> memref<128xf32, #tpu.memory_space<vmem>>
      %dma_start3A_42 = arith.constant 0 : i32
      %dma_start3A_43 = tpu.memref_slice %arg11[%dma_start3A_42] : memref<2048xi32, #tpu.memory_space<vmem>> -> memref<128xi32, #tpu.memory_space<vmem>>
      %dma_start3A_44 = arith.constant 0 : i32
      %dma_start3A_45 = tpu.memref_slice %arg5[%dma_start3A_44] : memref<12800000xf32, #tpu.memory_space<hbm>> -> memref<12800000xf32, #tpu.memory_space<hbm>>
      tpu.enqueue_indirect_dma source(%dma_start3A_45 : memref<12800000xf32, #tpu.memory_space<hbm>>) target(%dma_start3A_41 : memref<128xf32, #tpu.memory_space<vmem>>) offsets(%dma_start3A_43 : memref<128xi32, #tpu.memory_space<vmem>>) semaphore(%arg17 : memref<!tpu.dma_semaphore, #tpu.memory_space<semaphore_mem>>)
      %dma_start3A_46 = arith.constant 0 : i32
      %dma_start3A_47 = tpu.memref_slice %arg14[%dma_start3A_46] : memref<2048xf32, #tpu.memory_space<vmem>> -> memref<128xf32, #tpu.memory_space<vmem>>
      %dma_start3A_48 = arith.constant 0 : i32
      %dma_start3A_49 = tpu.memref_slice %arg12[%dma_start3A_48] : memref<2048xi32, #tpu.memory_space<vmem>> -> memref<128xi32, #tpu.memory_space<vmem>>
      %dma_start3A_50 = arith.constant 0 : i32
      %dma_start3A_51 = tpu.memref_slice %arg5[%dma_start3A_50] : memref<12800000xf32, #tpu.memory_space<hbm>> -> memref<12800000xf32, #tpu.memory_space<hbm>>
      tpu.enqueue_indirect_dma source(%dma_start3A_51 : memref<12800000xf32, #tpu.memory_space<hbm>>) target(%dma_start3A_47 : memref<128xf32, #tpu.memory_space<vmem>>) offsets(%dma_start3A_49 : memref<128xi32, #tpu.memory_space<vmem>>) semaphore(%arg17 : memref<!tpu.dma_semaphore, #tpu.memory_space<semaphore_mem>>)
      %dma_start3A_52 = arith.constant 128 : i32
      %dma_start3A_53 = tpu.memref_slice %arg13[%dma_start3A_52] : memref<2048xf32, #tpu.memory_space<vmem>> -> memref<128xf32, #tpu.memory_space<vmem>>
      %dma_start3A_54 = arith.constant 128 : i32
      %dma_start3A_55 = tpu.memref_slice %arg11[%dma_start3A_54] : memref<2048xi32, #tpu.memory_space<vmem>> -> memref<128xi32, #tpu.memory_space<vmem>>
      %dma_start3A_56 = arith.constant 0 : i32
      %dma_start3A_57 = tpu.memref_slice %arg5[%dma_start3A_56] : memref<12800000xf32, #tpu.memory_space<hbm>> -> memref<12800000xf32, #tpu.memory_space<hbm>>
      tpu.enqueue_indirect_dma source(%dma_start3A_57 : memref<12800000xf32, #tpu.memory_space<hbm>>) target(%dma_start3A_53 : memref<128xf32, #tpu.memory_space<vmem>>) offsets(%dma_start3A_55 : memref<128xi32, #tpu.memory_space<vmem>>) semaphore(%arg17 : memref<!tpu.dma_semaphore, #tpu.memory_space<semaphore_mem>>)
      %dma_start3A_58 = arith.constant 128 : i32
      %dma_start3A_59 = tpu.memref_slice %arg14[%dma_start3A_58] : memref<2048xf32, #tpu.memory_space<vmem>> -> memref<128xf32, #tpu.memory_space<vmem>>
      %dma_start3A_60 = arith.constant 128 : i32
      %dma_start3A_61 = tpu.memref_slice %arg12[%dma_start3A_60] : memref<2048xi32, #tpu.memory_space<vmem>> -> memref<128xi32, #tpu.memory_space<vmem>>
      %dma_start3A_62 = arith.constant 0 : i32
      %dma_start3A_63 = tpu.memref_slice %arg5[%dma_start3A_62] : memref<12800000xf32, #tpu.memory_space<hbm>> -> memref<12800000xf32, #tpu.memory_space<hbm>>
      tpu.enqueue_indirect_dma source(%dma_start3A_63 : memref<12800000xf32, #tpu.memory_space<hbm>>) target(%dma_start3A_59 : memref<128xf32, #tpu.memory_space<vmem>>) offsets(%dma_start3A_61 : memref<128xi32, #tpu.memory_space<vmem>>) semaphore(%arg17 : memref<!tpu.dma_semaphore, #tpu.memory_space<semaphore_mem>>)
      %dma_start3A_64 = arith.constant 256 : i32
      %dma_start3A_65 = tpu.memref_slice %arg13[%dma_start3A_64] : memref<2048xf32, #tpu.memory_space<vmem>> -> memref<128xf32, #tpu.memory_space<vmem>>
      %dma_start3A_66 = arith.constant 256 : i32
      %dma_start3A_67 = tpu.memref_slice %arg11[%dma_start3A_66] : memref<2048xi32, #tpu.memory_space<vmem>> -> memref<128xi32, #tpu.memory_space<vmem>>
      %dma_start3A_68 = arith.constant 0 : i32
      %dma_start3A_69 = tpu.memref_slice %arg5[%dma_start3A_68] : memref<12800000xf32, #tpu.memory_space<hbm>> -> memref<12800000xf32, #tpu.memory_space<hbm>>
      tpu.enqueue_indirect_dma source(%dma_start3A_69 : memref<12800000xf32, #tpu.memory_space<hbm>>) target(%dma_start3A_65 : memref<128xf32, #tpu.memory_space<vmem>>) offsets(%dma_start3A_67 : memref<128xi32, #tpu.memory_space<vmem>>) semaphore(%arg17 : memref<!tpu.dma_semaphore, #tpu.memory_space<semaphore_mem>>)
      %dma_start3A_70 = arith.constant 256 : i32
      %dma_start3A_71 = tpu.memref_slice %arg14[%dma_start3A_70] : memref<2048xf32, #tpu.memory_space<vmem>> -> memref<128xf32, #tpu.memory_space<vmem>>
      %dma_start3A_72 = arith.constant 256 : i32
      %dma_start3A_73 = tpu.memref_slice %arg12[%dma_start3A_72] : memref<2048xi32, #tpu.memory_space<vmem>> -> memref<128xi32, #tpu.memory_space<vmem>>
      %dma_start3A_74 = arith.constant 0 : i32
      %dma_start3A_75 = tpu.memref_slice %arg5[%dma_start3A_74] : memref<12800000xf32, #tpu.memory_space<hbm>> -> memref<12800000xf32, #tpu.memory_space<hbm>>
      tpu.enqueue_indirect_dma source(%dma_start3A_75 : memref<12800000xf32, #tpu.memory_space<hbm>>) target(%dma_start3A_71 : memref<128xf32, #tpu.memory_space<vmem>>) offsets(%dma_start3A_73 : memref<128xi32, #tpu.memory_space<vmem>>) semaphore(%arg17 : memref<!tpu.dma_semaphore, #tpu.memory_space<semaphore_mem>>)
      %dma_start3A_76 = arith.constant 384 : i32
      %dma_start3A_77 = tpu.memref_slice %arg13[%dma_start3A_76] : memref<2048xf32, #tpu.memory_space<vmem>> -> memref<128xf32, #tpu.memory_space<vmem>>
      %dma_start3A_78 = arith.constant 384 : i32
      %dma_start3A_79 = tpu.memref_slice %arg11[%dma_start3A_78] : memref<2048xi32, #tpu.memory_space<vmem>> -> memref<128xi32, #tpu.memory_space<vmem>>
      %dma_start3A_80 = arith.constant 0 : i32
      %dma_start3A_81 = tpu.memref_slice %arg5[%dma_start3A_80] : memref<12800000xf32, #tpu.memory_space<hbm>> -> memref<12800000xf32, #tpu.memory_space<hbm>>
      tpu.enqueue_indirect_dma source(%dma_start3A_81 : memref<12800000xf32, #tpu.memory_space<hbm>>) target(%dma_start3A_77 : memref<128xf32, #tpu.memory_space<vmem>>) offsets(%dma_start3A_79 : memref<128xi32, #tpu.memory_space<vmem>>) semaphore(%arg17 : memref<!tpu.dma_semaphore, #tpu.memory_space<semaphore_mem>>)
      %dma_start3A_82 = arith.constant 384 : i32
      %dma_start3A_83 = tpu.memref_slice %arg14[%dma_start3A_82] : memref<2048xf32, #tpu.memory_space<vmem>> -> memref<128xf32, #tpu.memory_space<vmem>>
      %dma_start3A_84 = arith.constant 384 : i32
      %dma_start3A_85 = tpu.memref_slice %arg12[%dma_start3A_84] : memref<2048xi32, #tpu.memory_space<vmem>> -> memref<128xi32, #tpu.memory_space<vmem>>
      %dma_start3A_86 = arith.constant 0 : i32
      %dma_start3A_87 = tpu.memref_slice %arg5[%dma_start3A_86] : memref<12800000xf32, #tpu.memory_space<hbm>> -> memref<12800000xf32, #tpu.memory_space<hbm>>
      tpu.enqueue_indirect_dma source(%dma_start3A_87 : memref<12800000xf32, #tpu.memory_space<hbm>>) target(%dma_start3A_83 : memref<128xf32, #tpu.memory_space<vmem>>) offsets(%dma_start3A_85 : memref<128xi32, #tpu.memory_space<vmem>>) semaphore(%arg17 : memref<!tpu.dma_semaphore, #tpu.memory_space<semaphore_mem>>)
      %dma_start3A_88 = arith.constant 512 : i32
      %dma_start3A_89 = tpu.memref_slice %arg13[%dma_start3A_88] : memref<2048xf32, #tpu.memory_space<vmem>> -> memref<128xf32, #tpu.memory_space<vmem>>
      %dma_start3A_90 = arith.constant 512 : i32
      %dma_start3A_91 = tpu.memref_slice %arg11[%dma_start3A_90] : memref<2048xi32, #tpu.memory_space<vmem>> -> memref<128xi32, #tpu.memory_space<vmem>>
      %dma_start3A_92 = arith.constant 0 : i32
      %dma_start3A_93 = tpu.memref_slice %arg5[%dma_start3A_92] : memref<12800000xf32, #tpu.memory_space<hbm>> -> memref<12800000xf32, #tpu.memory_space<hbm>>
      tpu.enqueue_indirect_dma source(%dma_start3A_93 : memref<12800000xf32, #tpu.memory_space<hbm>>) target(%dma_start3A_89 : memref<128xf32, #tpu.memory_space<vmem>>) offsets(%dma_start3A_91 : memref<128xi32, #tpu.memory_space<vmem>>) semaphore(%arg17 : memref<!tpu.dma_semaphore, #tpu.memory_space<semaphore_mem>>)
      %dma_start3A_94 = arith.constant 512 : i32
      %dma_start3A_95 = tpu.memref_slice %arg14[%dma_start3A_94] : memref<2048xf32, #tpu.memory_space<vmem>> -> memref<128xf32, #tpu.memory_space<vmem>>
      %dma_start3A_96 = arith.constant 512 : i32
      %dma_start3A_97 = tpu.memref_slice %arg12[%dma_start3A_96] : memref<2048xi32, #tpu.memory_space<vmem>> -> memref<128xi32, #tpu.memory_space<vmem>>
      %dma_start3A_98 = arith.constant 0 : i32
      %dma_start3A_99 = tpu.memref_slice %arg5[%dma_start3A_98] : memref<12800000xf32, #tpu.memory_space<hbm>> -> memref<12800000xf32, #tpu.memory_space<hbm>>
      tpu.enqueue_indirect_dma source(%dma_start3A_99 : memref<12800000xf32, #tpu.memory_space<hbm>>) target(%dma_start3A_95 : memref<128xf32, #tpu.memory_space<vmem>>) offsets(%dma_start3A_97 : memref<128xi32, #tpu.memory_space<vmem>>) semaphore(%arg17 : memref<!tpu.dma_semaphore, #tpu.memory_space<semaphore_mem>>)
      %dma_start3A_100 = arith.constant 640 : i32
      %dma_start3A_101 = tpu.memref_slice %arg13[%dma_start3A_100] : memref<2048xf32, #tpu.memory_space<vmem>> -> memref<128xf32, #tpu.memory_space<vmem>>
      %dma_start3A_102 = arith.constant 640 : i32
      %dma_start3A_103 = tpu.memref_slice %arg11[%dma_start3A_102] : memref<2048xi32, #tpu.memory_space<vmem>> -> memref<128xi32, #tpu.memory_space<vmem>>
      %dma_start3A_104 = arith.constant 0 : i32
      %dma_start3A_105 = tpu.memref_slice %arg5[%dma_start3A_104] : memref<12800000xf32, #tpu.memory_space<hbm>> -> memref<12800000xf32, #tpu.memory_space<hbm>>
      tpu.enqueue_indirect_dma source(%dma_start3A_105 : memref<12800000xf32, #tpu.memory_space<hbm>>) target(%dma_start3A_101 : memref<128xf32, #tpu.memory_space<vmem>>) offsets(%dma_start3A_103 : memref<128xi32, #tpu.memory_space<vmem>>) semaphore(%arg17 : memref<!tpu.dma_semaphore, #tpu.memory_space<semaphore_mem>>)
      %dma_start3A_106 = arith.constant 640 : i32
      %dma_start3A_107 = tpu.memref_slice %arg14[%dma_start3A_106] : memref<2048xf32, #tpu.memory_space<vmem>> -> memref<128xf32, #tpu.memory_space<vmem>>
      %dma_start3A_108 = arith.constant 640 : i32
      %dma_start3A_109 = tpu.memref_slice %arg12[%dma_start3A_108] : memref<2048xi32, #tpu.memory_space<vmem>> -> memref<128xi32, #tpu.memory_space<vmem>>
      %dma_start3A_110 = arith.constant 0 : i32
      %dma_start3A_111 = tpu.memref_slice %arg5[%dma_start3A_110] : memref<12800000xf32, #tpu.memory_space<hbm>> -> memref<12800000xf32, #tpu.memory_space<hbm>>
      tpu.enqueue_indirect_dma source(%dma_start3A_111 : memref<12800000xf32, #tpu.memory_space<hbm>>) target(%dma_start3A_107 : memref<128xf32, #tpu.memory_space<vmem>>) offsets(%dma_start3A_109 : memref<128xi32, #tpu.memory_space<vmem>>) semaphore(%arg17 : memref<!tpu.dma_semaphore, #tpu.memory_space<semaphore_mem>>)
      %dma_start3A_112 = arith.constant 768 : i32
      %dma_start3A_113 = tpu.memref_slice %arg13[%dma_start3A_112] : memref<2048xf32, #tpu.memory_space<vmem>> -> memref<128xf32, #tpu.memory_space<vmem>>
      %dma_start3A_114 = arith.constant 768 : i32
      %dma_start3A_115 = tpu.memref_slice %arg11[%dma_start3A_114] : memref<2048xi32, #tpu.memory_space<vmem>> -> memref<128xi32, #tpu.memory_space<vmem>>
      %dma_start3A_116 = arith.constant 0 : i32
      %dma_start3A_117 = tpu.memref_slice %arg5[%dma_start3A_116] : memref<12800000xf32, #tpu.memory_space<hbm>> -> memref<12800000xf32, #tpu.memory_space<hbm>>
      tpu.enqueue_indirect_dma source(%dma_start3A_117 : memref<12800000xf32, #tpu.memory_space<hbm>>) target(%dma_start3A_113 : memref<128xf32, #tpu.memory_space<vmem>>) offsets(%dma_start3A_115 : memref<128xi32, #tpu.memory_space<vmem>>) semaphore(%arg17 : memref<!tpu.dma_semaphore, #tpu.memory_space<semaphore_mem>>)
      %dma_start3A_118 = arith.constant 768 : i32
      %dma_start3A_119 = tpu.memref_slice %arg14[%dma_start3A_118] : memref<2048xf32, #tpu.memory_space<vmem>> -> memref<128xf32, #tpu.memory_space<vmem>>
      %dma_start3A_120 = arith.constant 768 : i32
      %dma_start3A_121 = tpu.memref_slice %arg12[%dma_start3A_120] : memref<2048xi32, #tpu.memory_space<vmem>> -> memref<128xi32, #tpu.memory_space<vmem>>
      %dma_start3A_122 = arith.constant 0 : i32
      %dma_start3A_123 = tpu.memref_slice %arg5[%dma_start3A_122] : memref<12800000xf32, #tpu.memory_space<hbm>> -> memref<12800000xf32, #tpu.memory_space<hbm>>
      tpu.enqueue_indirect_dma source(%dma_start3A_123 : memref<12800000xf32, #tpu.memory_space<hbm>>) target(%dma_start3A_119 : memref<128xf32, #tpu.memory_space<vmem>>) offsets(%dma_start3A_121 : memref<128xi32, #tpu.memory_space<vmem>>) semaphore(%arg17 : memref<!tpu.dma_semaphore, #tpu.memory_space<semaphore_mem>>)
      %dma_start3A_124 = arith.constant 896 : i32
      %dma_start3A_125 = tpu.memref_slice %arg13[%dma_start3A_124] : memref<2048xf32, #tpu.memory_space<vmem>> -> memref<128xf32, #tpu.memory_space<vmem>>
      %dma_start3A_126 = arith.constant 896 : i32
      %dma_start3A_127 = tpu.memref_slice %arg11[%dma_start3A_126] : memref<2048xi32, #tpu.memory_space<vmem>> -> memref<128xi32, #tpu.memory_space<vmem>>
      %dma_start3A_128 = arith.constant 0 : i32
      %dma_start3A_129 = tpu.memref_slice %arg5[%dma_start3A_128] : memref<12800000xf32, #tpu.memory_space<hbm>> -> memref<12800000xf32, #tpu.memory_space<hbm>>
      tpu.enqueue_indirect_dma source(%dma_start3A_129 : memref<12800000xf32, #tpu.memory_space<hbm>>) target(%dma_start3A_125 : memref<128xf32, #tpu.memory_space<vmem>>) offsets(%dma_start3A_127 : memref<128xi32, #tpu.memory_space<vmem>>) semaphore(%arg17 : memref<!tpu.dma_semaphore, #tpu.memory_space<semaphore_mem>>)
      %dma_start3A_130 = arith.constant 896 : i32
      %dma_start3A_131 = tpu.memref_slice %arg14[%dma_start3A_130] : memref<2048xf32, #tpu.memory_space<vmem>> -> memref<128xf32, #tpu.memory_space<vmem>>
      %dma_start3A_132 = arith.constant 896 : i32
      %dma_start3A_133 = tpu.memref_slice %arg12[%dma_start3A_132] : memref<2048xi32, #tpu.memory_space<vmem>> -> memref<128xi32, #tpu.memory_space<vmem>>
      %dma_start3A_134 = arith.constant 0 : i32
      %dma_start3A_135 = tpu.memref_slice %arg5[%dma_start3A_134] : memref<12800000xf32, #tpu.memory_space<hbm>> -> memref<12800000xf32, #tpu.memory_space<hbm>>
      tpu.enqueue_indirect_dma source(%dma_start3A_135 : memref<12800000xf32, #tpu.memory_space<hbm>>) target(%dma_start3A_131 : memref<128xf32, #tpu.memory_space<vmem>>) offsets(%dma_start3A_133 : memref<128xi32, #tpu.memory_space<vmem>>) semaphore(%arg17 : memref<!tpu.dma_semaphore, #tpu.memory_space<semaphore_mem>>)
      %dma_start3A_136 = arith.constant 1024 : i32
      %dma_start3A_137 = tpu.memref_slice %arg13[%dma_start3A_136] : memref<2048xf32, #tpu.memory_space<vmem>> -> memref<128xf32, #tpu.memory_space<vmem>>
      %dma_start3A_138 = arith.constant 1024 : i32
      %dma_start3A_139 = tpu.memref_slice %arg11[%dma_start3A_138] : memref<2048xi32, #tpu.memory_space<vmem>> -> memref<128xi32, #tpu.memory_space<vmem>>
      %dma_start3A_140 = arith.constant 0 : i32
      %dma_start3A_141 = tpu.memref_slice %arg5[%dma_start3A_140] : memref<12800000xf32, #tpu.memory_space<hbm>> -> memref<12800000xf32, #tpu.memory_space<hbm>>
      tpu.enqueue_indirect_dma source(%dma_start3A_141 : memref<12800000xf32, #tpu.memory_space<hbm>>) target(%dma_start3A_137 : memref<128xf32, #tpu.memory_space<vmem>>) offsets(%dma_start3A_139 : memref<128xi32, #tpu.memory_space<vmem>>) semaphore(%arg17 : memref<!tpu.dma_semaphore, #tpu.memory_space<semaphore_mem>>)
      %dma_start3A_142 = arith.constant 1024 : i32
      %dma_start3A_143 = tpu.memref_slice %arg14[%dma_start3A_142] : memref<2048xf32, #tpu.memory_space<vmem>> -> memref<128xf32, #tpu.memory_space<vmem>>
      %dma_start3A_144 = arith.constant 1024 : i32
      %dma_start3A_145 = tpu.memref_slice %arg12[%dma_start3A_144] : memref<2048xi32, #tpu.memory_space<vmem>> -> memref<128xi32, #tpu.memory_space<vmem>>
      %dma_start3A_146 = arith.constant 0 : i32
      %dma_start3A_147 = tpu.memref_slice %arg5[%dma_start3A_146] : memref<12800000xf32, #tpu.memory_space<hbm>> -> memref<12800000xf32, #tpu.memory_space<hbm>>
      tpu.enqueue_indirect_dma source(%dma_start3A_147 : memref<12800000xf32, #tpu.memory_space<hbm>>) target(%dma_start3A_143 : memref<128xf32, #tpu.memory_space<vmem>>) offsets(%dma_start3A_145 : memref<128xi32, #tpu.memory_space<vmem>>) semaphore(%arg17 : memref<!tpu.dma_semaphore, #tpu.memory_space<semaphore_mem>>)
      %dma_start3A_148 = arith.constant 1152 : i32
      %dma_start3A_149 = tpu.memref_slice %arg13[%dma_start3A_148] : memref<2048xf32, #tpu.memory_space<vmem>> -> memref<128xf32, #tpu.memory_space<vmem>>
      %dma_start3A_150 = arith.constant 1152 : i32
      %dma_start3A_151 = tpu.memref_slice %arg11[%dma_start3A_150] : memref<2048xi32, #tpu.memory_space<vmem>> -> memref<128xi32, #tpu.memory_space<vmem>>
      %dma_start3A_152 = arith.constant 0 : i32
      %dma_start3A_153 = tpu.memref_slice %arg5[%dma_start3A_152] : memref<12800000xf32, #tpu.memory_space<hbm>> -> memref<12800000xf32, #tpu.memory_space<hbm>>
      tpu.enqueue_indirect_dma source(%dma_start3A_153 : memref<12800000xf32, #tpu.memory_space<hbm>>) target(%dma_start3A_149 : memref<128xf32, #tpu.memory_space<vmem>>) offsets(%dma_start3A_151 : memref<128xi32, #tpu.memory_space<vmem>>) semaphore(%arg17 : memref<!tpu.dma_semaphore, #tpu.memory_space<semaphore_mem>>)
      %dma_start3A_154 = arith.constant 1152 : i32
      %dma_start3A_155 = tpu.memref_slice %arg14[%dma_start3A_154] : memref<2048xf32, #tpu.memory_space<vmem>> -> memref<128xf32, #tpu.memory_space<vmem>>
      %dma_start3A_156 = arith.constant 1152 : i32
      %dma_start3A_157 = tpu.memref_slice %arg12[%dma_start3A_156] : memref<2048xi32, #tpu.memory_space<vmem>> -> memref<128xi32, #tpu.memory_space<vmem>>
      %dma_start3A_158 = arith.constant 0 : i32
      %dma_start3A_159 = tpu.memref_slice %arg5[%dma_start3A_158] : memref<12800000xf32, #tpu.memory_space<hbm>> -> memref<12800000xf32, #tpu.memory_space<hbm>>
      tpu.enqueue_indirect_dma source(%dma_start3A_159 : memref<12800000xf32, #tpu.memory_space<hbm>>) target(%dma_start3A_155 : memref<128xf32, #tpu.memory_space<vmem>>) offsets(%dma_start3A_157 : memref<128xi32, #tpu.memory_space<vmem>>) semaphore(%arg17 : memref<!tpu.dma_semaphore, #tpu.memory_space<semaphore_mem>>)
      %dma_start3A_160 = arith.constant 1280 : i32
      %dma_start3A_161 = tpu.memref_slice %arg13[%dma_start3A_160] : memref<2048xf32, #tpu.memory_space<vmem>> -> memref<128xf32, #tpu.memory_space<vmem>>
      %dma_start3A_162 = arith.constant 1280 : i32
      %dma_start3A_163 = tpu.memref_slice %arg11[%dma_start3A_162] : memref<2048xi32, #tpu.memory_space<vmem>> -> memref<128xi32, #tpu.memory_space<vmem>>
      %dma_start3A_164 = arith.constant 0 : i32
      %dma_start3A_165 = tpu.memref_slice %arg5[%dma_start3A_164] : memref<12800000xf32, #tpu.memory_space<hbm>> -> memref<12800000xf32, #tpu.memory_space<hbm>>
      tpu.enqueue_indirect_dma source(%dma_start3A_165 : memref<12800000xf32, #tpu.memory_space<hbm>>) target(%dma_start3A_161 : memref<128xf32, #tpu.memory_space<vmem>>) offsets(%dma_start3A_163 : memref<128xi32, #tpu.memory_space<vmem>>) semaphore(%arg17 : memref<!tpu.dma_semaphore, #tpu.memory_space<semaphore_mem>>)
      %dma_start3A_166 = arith.constant 1280 : i32
      %dma_start3A_167 = tpu.memref_slice %arg14[%dma_start3A_166] : memref<2048xf32, #tpu.memory_space<vmem>> -> memref<128xf32, #tpu.memory_space<vmem>>
      %dma_start3A_168 = arith.constant 1280 : i32
      %dma_start3A_169 = tpu.memref_slice %arg12[%dma_start3A_168] : memref<2048xi32, #tpu.memory_space<vmem>> -> memref<128xi32, #tpu.memory_space<vmem>>
      %dma_start3A_170 = arith.constant 0 : i32
      %dma_start3A_171 = tpu.memref_slice %arg5[%dma_start3A_170] : memref<12800000xf32, #tpu.memory_space<hbm>> -> memref<12800000xf32, #tpu.memory_space<hbm>>
      tpu.enqueue_indirect_dma source(%dma_start3A_171 : memref<12800000xf32, #tpu.memory_space<hbm>>) target(%dma_start3A_167 : memref<128xf32, #tpu.memory_space<vmem>>) offsets(%dma_start3A_169 : memref<128xi32, #tpu.memory_space<vmem>>) semaphore(%arg17 : memref<!tpu.dma_semaphore, #tpu.memory_space<semaphore_mem>>)
      %dma_start3A_172 = arith.constant 1408 : i32
      %dma_start3A_173 = tpu.memref_slice %arg13[%dma_start3A_172] : memref<2048xf32, #tpu.memory_space<vmem>> -> memref<128xf32, #tpu.memory_space<vmem>>
      %dma_start3A_174 = arith.constant 1408 : i32
      %dma_start3A_175 = tpu.memref_slice %arg11[%dma_start3A_174] : memref<2048xi32, #tpu.memory_space<vmem>> -> memref<128xi32, #tpu.memory_space<vmem>>
      %dma_start3A_176 = arith.constant 0 : i32
      %dma_start3A_177 = tpu.memref_slice %arg5[%dma_start3A_176] : memref<12800000xf32, #tpu.memory_space<hbm>> -> memref<12800000xf32, #tpu.memory_space<hbm>>
      tpu.enqueue_indirect_dma source(%dma_start3A_177 : memref<12800000xf32, #tpu.memory_space<hbm>>) target(%dma_start3A_173 : memref<128xf32, #tpu.memory_space<vmem>>) offsets(%dma_start3A_175 : memref<128xi32, #tpu.memory_space<vmem>>) semaphore(%arg17 : memref<!tpu.dma_semaphore, #tpu.memory_space<semaphore_mem>>)
      %dma_start3A_178 = arith.constant 1408 : i32
      %dma_start3A_179 = tpu.memref_slice %arg14[%dma_start3A_178] : memref<2048xf32, #tpu.memory_space<vmem>> -> memref<128xf32, #tpu.memory_space<vmem>>
      %dma_start3A_180 = arith.constant 1408 : i32
      %dma_start3A_181 = tpu.memref_slice %arg12[%dma_start3A_180] : memref<2048xi32, #tpu.memory_space<vmem>> -> memref<128xi32, #tpu.memory_space<vmem>>
      %dma_start3A_182 = arith.constant 0 : i32
      %dma_start3A_183 = tpu.memref_slice %arg5[%dma_start3A_182] : memref<12800000xf32, #tpu.memory_space<hbm>> -> memref<12800000xf32, #tpu.memory_space<hbm>>
      tpu.enqueue_indirect_dma source(%dma_start3A_183 : memref<12800000xf32, #tpu.memory_space<hbm>>) target(%dma_start3A_179 : memref<128xf32, #tpu.memory_space<vmem>>) offsets(%dma_start3A_181 : memref<128xi32, #tpu.memory_space<vmem>>) semaphore(%arg17 : memref<!tpu.dma_semaphore, #tpu.memory_space<semaphore_mem>>)
      %dma_start3A_184 = arith.constant 1536 : i32
      %dma_start3A_185 = tpu.memref_slice %arg13[%dma_start3A_184] : memref<2048xf32, #tpu.memory_space<vmem>> -> memref<128xf32, #tpu.memory_space<vmem>>
      %dma_start3A_186 = arith.constant 1536 : i32
      %dma_start3A_187 = tpu.memref_slice %arg11[%dma_start3A_186] : memref<2048xi32, #tpu.memory_space<vmem>> -> memref<128xi32, #tpu.memory_space<vmem>>
      %dma_start3A_188 = arith.constant 0 : i32
      %dma_start3A_189 = tpu.memref_slice %arg5[%dma_start3A_188] : memref<12800000xf32, #tpu.memory_space<hbm>> -> memref<12800000xf32, #tpu.memory_space<hbm>>
      tpu.enqueue_indirect_dma source(%dma_start3A_189 : memref<12800000xf32, #tpu.memory_space<hbm>>) target(%dma_start3A_185 : memref<128xf32, #tpu.memory_space<vmem>>) offsets(%dma_start3A_187 : memref<128xi32, #tpu.memory_space<vmem>>) semaphore(%arg17 : memref<!tpu.dma_semaphore, #tpu.memory_space<semaphore_mem>>)
      %dma_start3A_190 = arith.constant 1536 : i32
      %dma_start3A_191 = tpu.memref_slice %arg14[%dma_start3A_190] : memref<2048xf32, #tpu.memory_space<vmem>> -> memref<128xf32, #tpu.memory_space<vmem>>
      %dma_start3A_192 = arith.constant 1536 : i32
      %dma_start3A_193 = tpu.memref_slice %arg12[%dma_start3A_192] : memref<2048xi32, #tpu.memory_space<vmem>> -> memref<128xi32, #tpu.memory_space<vmem>>
      %dma_start3A_194 = arith.constant 0 : i32
      %dma_start3A_195 = tpu.memref_slice %arg5[%dma_start3A_194] : memref<12800000xf32, #tpu.memory_space<hbm>> -> memref<12800000xf32, #tpu.memory_space<hbm>>
      tpu.enqueue_indirect_dma source(%dma_start3A_195 : memref<12800000xf32, #tpu.memory_space<hbm>>) target(%dma_start3A_191 : memref<128xf32, #tpu.memory_space<vmem>>) offsets(%dma_start3A_193 : memref<128xi32, #tpu.memory_space<vmem>>) semaphore(%arg17 : memref<!tpu.dma_semaphore, #tpu.memory_space<semaphore_mem>>)
      %dma_start3A_196 = arith.constant 1664 : i32
      %dma_start3A_197 = tpu.memref_slice %arg13[%dma_start3A_196] : memref<2048xf32, #tpu.memory_space<vmem>> -> memref<128xf32, #tpu.memory_space<vmem>>
      %dma_start3A_198 = arith.constant 1664 : i32
      %dma_start3A_199 = tpu.memref_slice %arg11[%dma_start3A_198] : memref<2048xi32, #tpu.memory_space<vmem>> -> memref<128xi32, #tpu.memory_space<vmem>>
      %dma_start3A_200 = arith.constant 0 : i32
      %dma_start3A_201 = tpu.memref_slice %arg5[%dma_start3A_200] : memref<12800000xf32, #tpu.memory_space<hbm>> -> memref<12800000xf32, #tpu.memory_space<hbm>>
      tpu.enqueue_indirect_dma source(%dma_start3A_201 : memref<12800000xf32, #tpu.memory_space<hbm>>) target(%dma_start3A_197 : memref<128xf32, #tpu.memory_space<vmem>>) offsets(%dma_start3A_199 : memref<128xi32, #tpu.memory_space<vmem>>) semaphore(%arg17 : memref<!tpu.dma_semaphore, #tpu.memory_space<semaphore_mem>>)
      %dma_start3A_202 = arith.constant 1664 : i32
      %dma_start3A_203 = tpu.memref_slice %arg14[%dma_start3A_202] : memref<2048xf32, #tpu.memory_space<vmem>> -> memref<128xf32, #tpu.memory_space<vmem>>
      %dma_start3A_204 = arith.constant 1664 : i32
      %dma_start3A_205 = tpu.memref_slice %arg12[%dma_start3A_204] : memref<2048xi32, #tpu.memory_space<vmem>> -> memref<128xi32, #tpu.memory_space<vmem>>
      %dma_start3A_206 = arith.constant 0 : i32
      %dma_start3A_207 = tpu.memref_slice %arg5[%dma_start3A_206] : memref<12800000xf32, #tpu.memory_space<hbm>> -> memref<12800000xf32, #tpu.memory_space<hbm>>
      tpu.enqueue_indirect_dma source(%dma_start3A_207 : memref<12800000xf32, #tpu.memory_space<hbm>>) target(%dma_start3A_203 : memref<128xf32, #tpu.memory_space<vmem>>) offsets(%dma_start3A_205 : memref<128xi32, #tpu.memory_space<vmem>>) semaphore(%arg17 : memref<!tpu.dma_semaphore, #tpu.memory_space<semaphore_mem>>)
      %dma_start3A_208 = arith.constant 1792 : i32
      %dma_start3A_209 = tpu.memref_slice %arg13[%dma_start3A_208] : memref<2048xf32, #tpu.memory_space<vmem>> -> memref<128xf32, #tpu.memory_space<vmem>>
      %dma_start3A_210 = arith.constant 1792 : i32
      %dma_start3A_211 = tpu.memref_slice %arg11[%dma_start3A_210] : memref<2048xi32, #tpu.memory_space<vmem>> -> memref<128xi32, #tpu.memory_space<vmem>>
      %dma_start3A_212 = arith.constant 0 : i32
      %dma_start3A_213 = tpu.memref_slice %arg5[%dma_start3A_212] : memref<12800000xf32, #tpu.memory_space<hbm>> -> memref<12800000xf32, #tpu.memory_space<hbm>>
      tpu.enqueue_indirect_dma source(%dma_start3A_213 : memref<12800000xf32, #tpu.memory_space<hbm>>) target(%dma_start3A_209 : memref<128xf32, #tpu.memory_space<vmem>>) offsets(%dma_start3A_211 : memref<128xi32, #tpu.memory_space<vmem>>) semaphore(%arg17 : memref<!tpu.dma_semaphore, #tpu.memory_space<semaphore_mem>>)
      %dma_start3A_214 = arith.constant 1792 : i32
      %dma_start3A_215 = tpu.memref_slice %arg14[%dma_start3A_214] : memref<2048xf32, #tpu.memory_space<vmem>> -> memref<128xf32, #tpu.memory_space<vmem>>
      %dma_start3A_216 = arith.constant 1792 : i32
      %dma_start3A_217 = tpu.memref_slice %arg12[%dma_start3A_216] : memref<2048xi32, #tpu.memory_space<vmem>> -> memref<128xi32, #tpu.memory_space<vmem>>
      %dma_start3A_218 = arith.constant 0 : i32
      %dma_start3A_219 = tpu.memref_slice %arg5[%dma_start3A_218] : memref<12800000xf32, #tpu.memory_space<hbm>> -> memref<12800000xf32, #tpu.memory_space<hbm>>
      tpu.enqueue_indirect_dma source(%dma_start3A_219 : memref<12800000xf32, #tpu.memory_space<hbm>>) target(%dma_start3A_215 : memref<128xf32, #tpu.memory_space<vmem>>) offsets(%dma_start3A_217 : memref<128xi32, #tpu.memory_space<vmem>>) semaphore(%arg17 : memref<!tpu.dma_semaphore, #tpu.memory_space<semaphore_mem>>)
      %dma_start3A_220 = arith.constant 1920 : i32
      %dma_start3A_221 = tpu.memref_slice %arg13[%dma_start3A_220] : memref<2048xf32, #tpu.memory_space<vmem>> -> memref<128xf32, #tpu.memory_space<vmem>>
      %dma_start3A_222 = arith.constant 1920 : i32
      %dma_start3A_223 = tpu.memref_slice %arg11[%dma_start3A_222] : memref<2048xi32, #tpu.memory_space<vmem>> -> memref<128xi32, #tpu.memory_space<vmem>>
      %dma_start3A_224 = arith.constant 0 : i32
      %dma_start3A_225 = tpu.memref_slice %arg5[%dma_start3A_224] : memref<12800000xf32, #tpu.memory_space<hbm>> -> memref<12800000xf32, #tpu.memory_space<hbm>>
      tpu.enqueue_indirect_dma source(%dma_start3A_225 : memref<12800000xf32, #tpu.memory_space<hbm>>) target(%dma_start3A_221 : memref<128xf32, #tpu.memory_space<vmem>>) offsets(%dma_start3A_223 : memref<128xi32, #tpu.memory_space<vmem>>) semaphore(%arg17 : memref<!tpu.dma_semaphore, #tpu.memory_space<semaphore_mem>>)
      %dma_start3A_226 = arith.constant 1920 : i32
      %dma_start3A_227 = tpu.memref_slice %arg14[%dma_start3A_226] : memref<2048xf32, #tpu.memory_space<vmem>> -> memref<128xf32, #tpu.memory_space<vmem>>
      %dma_start3A_228 = arith.constant 1920 : i32
      %dma_start3A_229 = tpu.memref_slice %arg12[%dma_start3A_228] : memref<2048xi32, #tpu.memory_space<vmem>> -> memref<128xi32, #tpu.memory_space<vmem>>
      %dma_start3A_230 = arith.constant 0 : i32
      %dma_start3A_231 = tpu.memref_slice %arg5[%dma_start3A_230] : memref<12800000xf32, #tpu.memory_space<hbm>> -> memref<12800000xf32, #tpu.memory_space<hbm>>
      tpu.enqueue_indirect_dma source(%dma_start3A_231 : memref<12800000xf32, #tpu.memory_space<hbm>>) target(%dma_start3A_227 : memref<128xf32, #tpu.memory_space<vmem>>) offsets(%dma_start3A_229 : memref<128xi32, #tpu.memory_space<vmem>>) semaphore(%arg17 : memref<!tpu.dma_semaphore, #tpu.memory_space<semaphore_mem>>)
      %dma_wait3A = arith.constant 0 : i32
      %dma_wait3A_232 = tpu.memref_slice %arg13[%dma_wait3A] : memref<2048xf32, #tpu.memory_space<vmem>> -> memref<128xf32, #tpu.memory_space<vmem>>
      %dma_wait3A_233 = arith.constant 0 : i32
      %dma_wait3A_234 = tpu.memref_slice %arg11[%dma_wait3A_233] : memref<2048xi32, #tpu.memory_space<vmem>> -> memref<128xi32, #tpu.memory_space<vmem>>
      %dma_wait3A_235 = arith.constant 0 : i32
      %dma_wait3A_236 = tpu.memref_slice %arg5[%dma_wait3A_235] : memref<12800000xf32, #tpu.memory_space<hbm>> -> memref<12800000xf32, #tpu.memory_space<hbm>>
      tpu.wait_indirect_dma semaphore(%arg17 : memref<!tpu.dma_semaphore, #tpu.memory_space<semaphore_mem>>) src(%dma_wait3A_236 : memref<12800000xf32, #tpu.memory_space<hbm>>) dst(%dma_wait3A_232 : memref<128xf32, #tpu.memory_space<vmem>>)
      %dma_wait3A_237 = arith.constant 0 : i32
      %dma_wait3A_238 = tpu.memref_slice %arg14[%dma_wait3A_237] : memref<2048xf32, #tpu.memory_space<vmem>> -> memref<128xf32, #tpu.memory_space<vmem>>
      %dma_wait3A_239 = arith.constant 0 : i32
      %dma_wait3A_240 = tpu.memref_slice %arg12[%dma_wait3A_239] : memref<2048xi32, #tpu.memory_space<vmem>> -> memref<128xi32, #tpu.memory_space<vmem>>
      %dma_wait3A_241 = arith.constant 0 : i32
      %dma_wait3A_242 = tpu.memref_slice %arg5[%dma_wait3A_241] : memref<12800000xf32, #tpu.memory_space<hbm>> -> memref<12800000xf32, #tpu.memory_space<hbm>>
      tpu.wait_indirect_dma semaphore(%arg17 : memref<!tpu.dma_semaphore, #tpu.memory_space<semaphore_mem>>) src(%dma_wait3A_242 : memref<12800000xf32, #tpu.memory_space<hbm>>) dst(%dma_wait3A_238 : memref<128xf32, #tpu.memory_space<vmem>>)
      %dma_wait3A_243 = arith.constant 128 : i32
      %dma_wait3A_244 = tpu.memref_slice %arg13[%dma_wait3A_243] : memref<2048xf32, #tpu.memory_space<vmem>> -> memref<128xf32, #tpu.memory_space<vmem>>
      %dma_wait3A_245 = arith.constant 128 : i32
      %dma_wait3A_246 = tpu.memref_slice %arg11[%dma_wait3A_245] : memref<2048xi32, #tpu.memory_space<vmem>> -> memref<128xi32, #tpu.memory_space<vmem>>
      %dma_wait3A_247 = arith.constant 0 : i32
      %dma_wait3A_248 = tpu.memref_slice %arg5[%dma_wait3A_247] : memref<12800000xf32, #tpu.memory_space<hbm>> -> memref<12800000xf32, #tpu.memory_space<hbm>>
      tpu.wait_indirect_dma semaphore(%arg17 : memref<!tpu.dma_semaphore, #tpu.memory_space<semaphore_mem>>) src(%dma_wait3A_248 : memref<12800000xf32, #tpu.memory_space<hbm>>) dst(%dma_wait3A_244 : memref<128xf32, #tpu.memory_space<vmem>>)
      %dma_wait3A_249 = arith.constant 128 : i32
      %dma_wait3A_250 = tpu.memref_slice %arg14[%dma_wait3A_249] : memref<2048xf32, #tpu.memory_space<vmem>> -> memref<128xf32, #tpu.memory_space<vmem>>
      %dma_wait3A_251 = arith.constant 128 : i32
      %dma_wait3A_252 = tpu.memref_slice %arg12[%dma_wait3A_251] : memref<2048xi32, #tpu.memory_space<vmem>> -> memref<128xi32, #tpu.memory_space<vmem>>
      %dma_wait3A_253 = arith.constant 0 : i32
      %dma_wait3A_254 = tpu.memref_slice %arg5[%dma_wait3A_253] : memref<12800000xf32, #tpu.memory_space<hbm>> -> memref<12800000xf32, #tpu.memory_space<hbm>>
      tpu.wait_indirect_dma semaphore(%arg17 : memref<!tpu.dma_semaphore, #tpu.memory_space<semaphore_mem>>) src(%dma_wait3A_254 : memref<12800000xf32, #tpu.memory_space<hbm>>) dst(%dma_wait3A_250 : memref<128xf32, #tpu.memory_space<vmem>>)
      %dma_wait3A_255 = arith.constant 256 : i32
      %dma_wait3A_256 = tpu.memref_slice %arg13[%dma_wait3A_255] : memref<2048xf32, #tpu.memory_space<vmem>> -> memref<128xf32, #tpu.memory_space<vmem>>
      %dma_wait3A_257 = arith.constant 256 : i32
      %dma_wait3A_258 = tpu.memref_slice %arg11[%dma_wait3A_257] : memref<2048xi32, #tpu.memory_space<vmem>> -> memref<128xi32, #tpu.memory_space<vmem>>
      %dma_wait3A_259 = arith.constant 0 : i32
      %dma_wait3A_260 = tpu.memref_slice %arg5[%dma_wait3A_259] : memref<12800000xf32, #tpu.memory_space<hbm>> -> memref<12800000xf32, #tpu.memory_space<hbm>>
      tpu.wait_indirect_dma semaphore(%arg17 : memref<!tpu.dma_semaphore, #tpu.memory_space<semaphore_mem>>) src(%dma_wait3A_260 : memref<12800000xf32, #tpu.memory_space<hbm>>) dst(%dma_wait3A_256 : memref<128xf32, #tpu.memory_space<vmem>>)
      %dma_wait3A_261 = arith.constant 256 : i32
      %dma_wait3A_262 = tpu.memref_slice %arg14[%dma_wait3A_261] : memref<2048xf32, #tpu.memory_space<vmem>> -> memref<128xf32, #tpu.memory_space<vmem>>
      %dma_wait3A_263 = arith.constant 256 : i32
      %dma_wait3A_264 = tpu.memref_slice %arg12[%dma_wait3A_263] : memref<2048xi32, #tpu.memory_space<vmem>> -> memref<128xi32, #tpu.memory_space<vmem>>
      %dma_wait3A_265 = arith.constant 0 : i32
      %dma_wait3A_266 = tpu.memref_slice %arg5[%dma_wait3A_265] : memref<12800000xf32, #tpu.memory_space<hbm>> -> memref<12800000xf32, #tpu.memory_space<hbm>>
      tpu.wait_indirect_dma semaphore(%arg17 : memref<!tpu.dma_semaphore, #tpu.memory_space<semaphore_mem>>) src(%dma_wait3A_266 : memref<12800000xf32, #tpu.memory_space<hbm>>) dst(%dma_wait3A_262 : memref<128xf32, #tpu.memory_space<vmem>>)
      %dma_wait3A_267 = arith.constant 384 : i32
      %dma_wait3A_268 = tpu.memref_slice %arg13[%dma_wait3A_267] : memref<2048xf32, #tpu.memory_space<vmem>> -> memref<128xf32, #tpu.memory_space<vmem>>
      %dma_wait3A_269 = arith.constant 384 : i32
      %dma_wait3A_270 = tpu.memref_slice %arg11[%dma_wait3A_269] : memref<2048xi32, #tpu.memory_space<vmem>> -> memref<128xi32, #tpu.memory_space<vmem>>
      %dma_wait3A_271 = arith.constant 0 : i32
      %dma_wait3A_272 = tpu.memref_slice %arg5[%dma_wait3A_271] : memref<12800000xf32, #tpu.memory_space<hbm>> -> memref<12800000xf32, #tpu.memory_space<hbm>>
      tpu.wait_indirect_dma semaphore(%arg17 : memref<!tpu.dma_semaphore, #tpu.memory_space<semaphore_mem>>) src(%dma_wait3A_272 : memref<12800000xf32, #tpu.memory_space<hbm>>) dst(%dma_wait3A_268 : memref<128xf32, #tpu.memory_space<vmem>>)
      %dma_wait3A_273 = arith.constant 384 : i32
      %dma_wait3A_274 = tpu.memref_slice %arg14[%dma_wait3A_273] : memref<2048xf32, #tpu.memory_space<vmem>> -> memref<128xf32, #tpu.memory_space<vmem>>
      %dma_wait3A_275 = arith.constant 384 : i32
      %dma_wait3A_276 = tpu.memref_slice %arg12[%dma_wait3A_275] : memref<2048xi32, #tpu.memory_space<vmem>> -> memref<128xi32, #tpu.memory_space<vmem>>
      %dma_wait3A_277 = arith.constant 0 : i32
      %dma_wait3A_278 = tpu.memref_slice %arg5[%dma_wait3A_277] : memref<12800000xf32, #tpu.memory_space<hbm>> -> memref<12800000xf32, #tpu.memory_space<hbm>>
      tpu.wait_indirect_dma semaphore(%arg17 : memref<!tpu.dma_semaphore, #tpu.memory_space<semaphore_mem>>) src(%dma_wait3A_278 : memref<12800000xf32, #tpu.memory_space<hbm>>) dst(%dma_wait3A_274 : memref<128xf32, #tpu.memory_space<vmem>>)
      %dma_wait3A_279 = arith.constant 512 : i32
      %dma_wait3A_280 = tpu.memref_slice %arg13[%dma_wait3A_279] : memref<2048xf32, #tpu.memory_space<vmem>> -> memref<128xf32, #tpu.memory_space<vmem>>
      %dma_wait3A_281 = arith.constant 512 : i32
      %dma_wait3A_282 = tpu.memref_slice %arg11[%dma_wait3A_281] : memref<2048xi32, #tpu.memory_space<vmem>> -> memref<128xi32, #tpu.memory_space<vmem>>
      %dma_wait3A_283 = arith.constant 0 : i32
      %dma_wait3A_284 = tpu.memref_slice %arg5[%dma_wait3A_283] : memref<12800000xf32, #tpu.memory_space<hbm>> -> memref<12800000xf32, #tpu.memory_space<hbm>>
      tpu.wait_indirect_dma semaphore(%arg17 : memref<!tpu.dma_semaphore, #tpu.memory_space<semaphore_mem>>) src(%dma_wait3A_284 : memref<12800000xf32, #tpu.memory_space<hbm>>) dst(%dma_wait3A_280 : memref<128xf32, #tpu.memory_space<vmem>>)
      %dma_wait3A_285 = arith.constant 512 : i32
      %dma_wait3A_286 = tpu.memref_slice %arg14[%dma_wait3A_285] : memref<2048xf32, #tpu.memory_space<vmem>> -> memref<128xf32, #tpu.memory_space<vmem>>
      %dma_wait3A_287 = arith.constant 512 : i32
      %dma_wait3A_288 = tpu.memref_slice %arg12[%dma_wait3A_287] : memref<2048xi32, #tpu.memory_space<vmem>> -> memref<128xi32, #tpu.memory_space<vmem>>
      %dma_wait3A_289 = arith.constant 0 : i32
      %dma_wait3A_290 = tpu.memref_slice %arg5[%dma_wait3A_289] : memref<12800000xf32, #tpu.memory_space<hbm>> -> memref<12800000xf32, #tpu.memory_space<hbm>>
      tpu.wait_indirect_dma semaphore(%arg17 : memref<!tpu.dma_semaphore, #tpu.memory_space<semaphore_mem>>) src(%dma_wait3A_290 : memref<12800000xf32, #tpu.memory_space<hbm>>) dst(%dma_wait3A_286 : memref<128xf32, #tpu.memory_space<vmem>>)
      %dma_wait3A_291 = arith.constant 640 : i32
      %dma_wait3A_292 = tpu.memref_slice %arg13[%dma_wait3A_291] : memref<2048xf32, #tpu.memory_space<vmem>> -> memref<128xf32, #tpu.memory_space<vmem>>
      %dma_wait3A_293 = arith.constant 640 : i32
      %dma_wait3A_294 = tpu.memref_slice %arg11[%dma_wait3A_293] : memref<2048xi32, #tpu.memory_space<vmem>> -> memref<128xi32, #tpu.memory_space<vmem>>
      %dma_wait3A_295 = arith.constant 0 : i32
      %dma_wait3A_296 = tpu.memref_slice %arg5[%dma_wait3A_295] : memref<12800000xf32, #tpu.memory_space<hbm>> -> memref<12800000xf32, #tpu.memory_space<hbm>>
      tpu.wait_indirect_dma semaphore(%arg17 : memref<!tpu.dma_semaphore, #tpu.memory_space<semaphore_mem>>) src(%dma_wait3A_296 : memref<12800000xf32, #tpu.memory_space<hbm>>) dst(%dma_wait3A_292 : memref<128xf32, #tpu.memory_space<vmem>>)
      %dma_wait3A_297 = arith.constant 640 : i32
      %dma_wait3A_298 = tpu.memref_slice %arg14[%dma_wait3A_297] : memref<2048xf32, #tpu.memory_space<vmem>> -> memref<128xf32, #tpu.memory_space<vmem>>
      %dma_wait3A_299 = arith.constant 640 : i32
      %dma_wait3A_300 = tpu.memref_slice %arg12[%dma_wait3A_299] : memref<2048xi32, #tpu.memory_space<vmem>> -> memref<128xi32, #tpu.memory_space<vmem>>
      %dma_wait3A_301 = arith.constant 0 : i32
      %dma_wait3A_302 = tpu.memref_slice %arg5[%dma_wait3A_301] : memref<12800000xf32, #tpu.memory_space<hbm>> -> memref<12800000xf32, #tpu.memory_space<hbm>>
      tpu.wait_indirect_dma semaphore(%arg17 : memref<!tpu.dma_semaphore, #tpu.memory_space<semaphore_mem>>) src(%dma_wait3A_302 : memref<12800000xf32, #tpu.memory_space<hbm>>) dst(%dma_wait3A_298 : memref<128xf32, #tpu.memory_space<vmem>>)
      %dma_wait3A_303 = arith.constant 768 : i32
      %dma_wait3A_304 = tpu.memref_slice %arg13[%dma_wait3A_303] : memref<2048xf32, #tpu.memory_space<vmem>> -> memref<128xf32, #tpu.memory_space<vmem>>
      %dma_wait3A_305 = arith.constant 768 : i32
      %dma_wait3A_306 = tpu.memref_slice %arg11[%dma_wait3A_305] : memref<2048xi32, #tpu.memory_space<vmem>> -> memref<128xi32, #tpu.memory_space<vmem>>
      %dma_wait3A_307 = arith.constant 0 : i32
      %dma_wait3A_308 = tpu.memref_slice %arg5[%dma_wait3A_307] : memref<12800000xf32, #tpu.memory_space<hbm>> -> memref<12800000xf32, #tpu.memory_space<hbm>>
      tpu.wait_indirect_dma semaphore(%arg17 : memref<!tpu.dma_semaphore, #tpu.memory_space<semaphore_mem>>) src(%dma_wait3A_308 : memref<12800000xf32, #tpu.memory_space<hbm>>) dst(%dma_wait3A_304 : memref<128xf32, #tpu.memory_space<vmem>>)
      %dma_wait3A_309 = arith.constant 768 : i32
      %dma_wait3A_310 = tpu.memref_slice %arg14[%dma_wait3A_309] : memref<2048xf32, #tpu.memory_space<vmem>> -> memref<128xf32, #tpu.memory_space<vmem>>
      %dma_wait3A_311 = arith.constant 768 : i32
      %dma_wait3A_312 = tpu.memref_slice %arg12[%dma_wait3A_311] : memref<2048xi32, #tpu.memory_space<vmem>> -> memref<128xi32, #tpu.memory_space<vmem>>
      %dma_wait3A_313 = arith.constant 0 : i32
      %dma_wait3A_314 = tpu.memref_slice %arg5[%dma_wait3A_313] : memref<12800000xf32, #tpu.memory_space<hbm>> -> memref<12800000xf32, #tpu.memory_space<hbm>>
      tpu.wait_indirect_dma semaphore(%arg17 : memref<!tpu.dma_semaphore, #tpu.memory_space<semaphore_mem>>) src(%dma_wait3A_314 : memref<12800000xf32, #tpu.memory_space<hbm>>) dst(%dma_wait3A_310 : memref<128xf32, #tpu.memory_space<vmem>>)
      %dma_wait3A_315 = arith.constant 896 : i32
      %dma_wait3A_316 = tpu.memref_slice %arg13[%dma_wait3A_315] : memref<2048xf32, #tpu.memory_space<vmem>> -> memref<128xf32, #tpu.memory_space<vmem>>
      %dma_wait3A_317 = arith.constant 896 : i32
      %dma_wait3A_318 = tpu.memref_slice %arg11[%dma_wait3A_317] : memref<2048xi32, #tpu.memory_space<vmem>> -> memref<128xi32, #tpu.memory_space<vmem>>
      %dma_wait3A_319 = arith.constant 0 : i32
      %dma_wait3A_320 = tpu.memref_slice %arg5[%dma_wait3A_319] : memref<12800000xf32, #tpu.memory_space<hbm>> -> memref<12800000xf32, #tpu.memory_space<hbm>>
      tpu.wait_indirect_dma semaphore(%arg17 : memref<!tpu.dma_semaphore, #tpu.memory_space<semaphore_mem>>) src(%dma_wait3A_320 : memref<12800000xf32, #tpu.memory_space<hbm>>) dst(%dma_wait3A_316 : memref<128xf32, #tpu.memory_space<vmem>>)
      %dma_wait3A_321 = arith.constant 896 : i32
      %dma_wait3A_322 = tpu.memref_slice %arg14[%dma_wait3A_321] : memref<2048xf32, #tpu.memory_space<vmem>> -> memref<128xf32, #tpu.memory_space<vmem>>
      %dma_wait3A_323 = arith.constant 896 : i32
      %dma_wait3A_324 = tpu.memref_slice %arg12[%dma_wait3A_323] : memref<2048xi32, #tpu.memory_space<vmem>> -> memref<128xi32, #tpu.memory_space<vmem>>
      %dma_wait3A_325 = arith.constant 0 : i32
      %dma_wait3A_326 = tpu.memref_slice %arg5[%dma_wait3A_325] : memref<12800000xf32, #tpu.memory_space<hbm>> -> memref<12800000xf32, #tpu.memory_space<hbm>>
      tpu.wait_indirect_dma semaphore(%arg17 : memref<!tpu.dma_semaphore, #tpu.memory_space<semaphore_mem>>) src(%dma_wait3A_326 : memref<12800000xf32, #tpu.memory_space<hbm>>) dst(%dma_wait3A_322 : memref<128xf32, #tpu.memory_space<vmem>>)
      %dma_wait3A_327 = arith.constant 1024 : i32
      %dma_wait3A_328 = tpu.memref_slice %arg13[%dma_wait3A_327] : memref<2048xf32, #tpu.memory_space<vmem>> -> memref<128xf32, #tpu.memory_space<vmem>>
      %dma_wait3A_329 = arith.constant 1024 : i32
      %dma_wait3A_330 = tpu.memref_slice %arg11[%dma_wait3A_329] : memref<2048xi32, #tpu.memory_space<vmem>> -> memref<128xi32, #tpu.memory_space<vmem>>
      %dma_wait3A_331 = arith.constant 0 : i32
      %dma_wait3A_332 = tpu.memref_slice %arg5[%dma_wait3A_331] : memref<12800000xf32, #tpu.memory_space<hbm>> -> memref<12800000xf32, #tpu.memory_space<hbm>>
      tpu.wait_indirect_dma semaphore(%arg17 : memref<!tpu.dma_semaphore, #tpu.memory_space<semaphore_mem>>) src(%dma_wait3A_332 : memref<12800000xf32, #tpu.memory_space<hbm>>) dst(%dma_wait3A_328 : memref<128xf32, #tpu.memory_space<vmem>>)
      %dma_wait3A_333 = arith.constant 1024 : i32
      %dma_wait3A_334 = tpu.memref_slice %arg14[%dma_wait3A_333] : memref<2048xf32, #tpu.memory_space<vmem>> -> memref<128xf32, #tpu.memory_space<vmem>>
      %dma_wait3A_335 = arith.constant 1024 : i32
      %dma_wait3A_336 = tpu.memref_slice %arg12[%dma_wait3A_335] : memref<2048xi32, #tpu.memory_space<vmem>> -> memref<128xi32, #tpu.memory_space<vmem>>
      %dma_wait3A_337 = arith.constant 0 : i32
      %dma_wait3A_338 = tpu.memref_slice %arg5[%dma_wait3A_337] : memref<12800000xf32, #tpu.memory_space<hbm>> -> memref<12800000xf32, #tpu.memory_space<hbm>>
      tpu.wait_indirect_dma semaphore(%arg17 : memref<!tpu.dma_semaphore, #tpu.memory_space<semaphore_mem>>) src(%dma_wait3A_338 : memref<12800000xf32, #tpu.memory_space<hbm>>) dst(%dma_wait3A_334 : memref<128xf32, #tpu.memory_space<vmem>>)
      %dma_wait3A_339 = arith.constant 1152 : i32
      %dma_wait3A_340 = tpu.memref_slice %arg13[%dma_wait3A_339] : memref<2048xf32, #tpu.memory_space<vmem>> -> memref<128xf32, #tpu.memory_space<vmem>>
      %dma_wait3A_341 = arith.constant 1152 : i32
      %dma_wait3A_342 = tpu.memref_slice %arg11[%dma_wait3A_341] : memref<2048xi32, #tpu.memory_space<vmem>> -> memref<128xi32, #tpu.memory_space<vmem>>
      %dma_wait3A_343 = arith.constant 0 : i32
      %dma_wait3A_344 = tpu.memref_slice %arg5[%dma_wait3A_343] : memref<12800000xf32, #tpu.memory_space<hbm>> -> memref<12800000xf32, #tpu.memory_space<hbm>>
      tpu.wait_indirect_dma semaphore(%arg17 : memref<!tpu.dma_semaphore, #tpu.memory_space<semaphore_mem>>) src(%dma_wait3A_344 : memref<12800000xf32, #tpu.memory_space<hbm>>) dst(%dma_wait3A_340 : memref<128xf32, #tpu.memory_space<vmem>>)
      %dma_wait3A_345 = arith.constant 1152 : i32
      %dma_wait3A_346 = tpu.memref_slice %arg14[%dma_wait3A_345] : memref<2048xf32, #tpu.memory_space<vmem>> -> memref<128xf32, #tpu.memory_space<vmem>>
      %dma_wait3A_347 = arith.constant 1152 : i32
      %dma_wait3A_348 = tpu.memref_slice %arg12[%dma_wait3A_347] : memref<2048xi32, #tpu.memory_space<vmem>> -> memref<128xi32, #tpu.memory_space<vmem>>
      %dma_wait3A_349 = arith.constant 0 : i32
      %dma_wait3A_350 = tpu.memref_slice %arg5[%dma_wait3A_349] : memref<12800000xf32, #tpu.memory_space<hbm>> -> memref<12800000xf32, #tpu.memory_space<hbm>>
      tpu.wait_indirect_dma semaphore(%arg17 : memref<!tpu.dma_semaphore, #tpu.memory_space<semaphore_mem>>) src(%dma_wait3A_350 : memref<12800000xf32, #tpu.memory_space<hbm>>) dst(%dma_wait3A_346 : memref<128xf32, #tpu.memory_space<vmem>>)
      %dma_wait3A_351 = arith.constant 1280 : i32
      %dma_wait3A_352 = tpu.memref_slice %arg13[%dma_wait3A_351] : memref<2048xf32, #tpu.memory_space<vmem>> -> memref<128xf32, #tpu.memory_space<vmem>>
      %dma_wait3A_353 = arith.constant 1280 : i32
      %dma_wait3A_354 = tpu.memref_slice %arg11[%dma_wait3A_353] : memref<2048xi32, #tpu.memory_space<vmem>> -> memref<128xi32, #tpu.memory_space<vmem>>
      %dma_wait3A_355 = arith.constant 0 : i32
      %dma_wait3A_356 = tpu.memref_slice %arg5[%dma_wait3A_355] : memref<12800000xf32, #tpu.memory_space<hbm>> -> memref<12800000xf32, #tpu.memory_space<hbm>>
      tpu.wait_indirect_dma semaphore(%arg17 : memref<!tpu.dma_semaphore, #tpu.memory_space<semaphore_mem>>) src(%dma_wait3A_356 : memref<12800000xf32, #tpu.memory_space<hbm>>) dst(%dma_wait3A_352 : memref<128xf32, #tpu.memory_space<vmem>>)
      %dma_wait3A_357 = arith.constant 1280 : i32
      %dma_wait3A_358 = tpu.memref_slice %arg14[%dma_wait3A_357] : memref<2048xf32, #tpu.memory_space<vmem>> -> memref<128xf32, #tpu.memory_space<vmem>>
      %dma_wait3A_359 = arith.constant 1280 : i32
      %dma_wait3A_360 = tpu.memref_slice %arg12[%dma_wait3A_359] : memref<2048xi32, #tpu.memory_space<vmem>> -> memref<128xi32, #tpu.memory_space<vmem>>
      %dma_wait3A_361 = arith.constant 0 : i32
      %dma_wait3A_362 = tpu.memref_slice %arg5[%dma_wait3A_361] : memref<12800000xf32, #tpu.memory_space<hbm>> -> memref<12800000xf32, #tpu.memory_space<hbm>>
      tpu.wait_indirect_dma semaphore(%arg17 : memref<!tpu.dma_semaphore, #tpu.memory_space<semaphore_mem>>) src(%dma_wait3A_362 : memref<12800000xf32, #tpu.memory_space<hbm>>) dst(%dma_wait3A_358 : memref<128xf32, #tpu.memory_space<vmem>>)
      %dma_wait3A_363 = arith.constant 1408 : i32
      %dma_wait3A_364 = tpu.memref_slice %arg13[%dma_wait3A_363] : memref<2048xf32, #tpu.memory_space<vmem>> -> memref<128xf32, #tpu.memory_space<vmem>>
      %dma_wait3A_365 = arith.constant 1408 : i32
      %dma_wait3A_366 = tpu.memref_slice %arg11[%dma_wait3A_365] : memref<2048xi32, #tpu.memory_space<vmem>> -> memref<128xi32, #tpu.memory_space<vmem>>
      %dma_wait3A_367 = arith.constant 0 : i32
      %dma_wait3A_368 = tpu.memref_slice %arg5[%dma_wait3A_367] : memref<12800000xf32, #tpu.memory_space<hbm>> -> memref<12800000xf32, #tpu.memory_space<hbm>>
      tpu.wait_indirect_dma semaphore(%arg17 : memref<!tpu.dma_semaphore, #tpu.memory_space<semaphore_mem>>) src(%dma_wait3A_368 : memref<12800000xf32, #tpu.memory_space<hbm>>) dst(%dma_wait3A_364 : memref<128xf32, #tpu.memory_space<vmem>>)
      %dma_wait3A_369 = arith.constant 1408 : i32
      %dma_wait3A_370 = tpu.memref_slice %arg14[%dma_wait3A_369] : memref<2048xf32, #tpu.memory_space<vmem>> -> memref<128xf32, #tpu.memory_space<vmem>>
      %dma_wait3A_371 = arith.constant 1408 : i32
      %dma_wait3A_372 = tpu.memref_slice %arg12[%dma_wait3A_371] : memref<2048xi32, #tpu.memory_space<vmem>> -> memref<128xi32, #tpu.memory_space<vmem>>
      %dma_wait3A_373 = arith.constant 0 : i32
      %dma_wait3A_374 = tpu.memref_slice %arg5[%dma_wait3A_373] : memref<12800000xf32, #tpu.memory_space<hbm>> -> memref<12800000xf32, #tpu.memory_space<hbm>>
      tpu.wait_indirect_dma semaphore(%arg17 : memref<!tpu.dma_semaphore, #tpu.memory_space<semaphore_mem>>) src(%dma_wait3A_374 : memref<12800000xf32, #tpu.memory_space<hbm>>) dst(%dma_wait3A_370 : memref<128xf32, #tpu.memory_space<vmem>>)
      %dma_wait3A_375 = arith.constant 1536 : i32
      %dma_wait3A_376 = tpu.memref_slice %arg13[%dma_wait3A_375] : memref<2048xf32, #tpu.memory_space<vmem>> -> memref<128xf32, #tpu.memory_space<vmem>>
      %dma_wait3A_377 = arith.constant 1536 : i32
      %dma_wait3A_378 = tpu.memref_slice %arg11[%dma_wait3A_377] : memref<2048xi32, #tpu.memory_space<vmem>> -> memref<128xi32, #tpu.memory_space<vmem>>
      %dma_wait3A_379 = arith.constant 0 : i32
      %dma_wait3A_380 = tpu.memref_slice %arg5[%dma_wait3A_379] : memref<12800000xf32, #tpu.memory_space<hbm>> -> memref<12800000xf32, #tpu.memory_space<hbm>>
      tpu.wait_indirect_dma semaphore(%arg17 : memref<!tpu.dma_semaphore, #tpu.memory_space<semaphore_mem>>) src(%dma_wait3A_380 : memref<12800000xf32, #tpu.memory_space<hbm>>) dst(%dma_wait3A_376 : memref<128xf32, #tpu.memory_space<vmem>>)
      %dma_wait3A_381 = arith.constant 1536 : i32
      %dma_wait3A_382 = tpu.memref_slice %arg14[%dma_wait3A_381] : memref<2048xf32, #tpu.memory_space<vmem>> -> memref<128xf32, #tpu.memory_space<vmem>>
      %dma_wait3A_383 = arith.constant 1536 : i32
      %dma_wait3A_384 = tpu.memref_slice %arg12[%dma_wait3A_383] : memref<2048xi32, #tpu.memory_space<vmem>> -> memref<128xi32, #tpu.memory_space<vmem>>
      %dma_wait3A_385 = arith.constant 0 : i32
      %dma_wait3A_386 = tpu.memref_slice %arg5[%dma_wait3A_385] : memref<12800000xf32, #tpu.memory_space<hbm>> -> memref<12800000xf32, #tpu.memory_space<hbm>>
      tpu.wait_indirect_dma semaphore(%arg17 : memref<!tpu.dma_semaphore, #tpu.memory_space<semaphore_mem>>) src(%dma_wait3A_386 : memref<12800000xf32, #tpu.memory_space<hbm>>) dst(%dma_wait3A_382 : memref<128xf32, #tpu.memory_space<vmem>>)
      %dma_wait3A_387 = arith.constant 1664 : i32
      %dma_wait3A_388 = tpu.memref_slice %arg13[%dma_wait3A_387] : memref<2048xf32, #tpu.memory_space<vmem>> -> memref<128xf32, #tpu.memory_space<vmem>>
      %dma_wait3A_389 = arith.constant 1664 : i32
      %dma_wait3A_390 = tpu.memref_slice %arg11[%dma_wait3A_389] : memref<2048xi32, #tpu.memory_space<vmem>> -> memref<128xi32, #tpu.memory_space<vmem>>
      %dma_wait3A_391 = arith.constant 0 : i32
      %dma_wait3A_392 = tpu.memref_slice %arg5[%dma_wait3A_391] : memref<12800000xf32, #tpu.memory_space<hbm>> -> memref<12800000xf32, #tpu.memory_space<hbm>>
      tpu.wait_indirect_dma semaphore(%arg17 : memref<!tpu.dma_semaphore, #tpu.memory_space<semaphore_mem>>) src(%dma_wait3A_392 : memref<12800000xf32, #tpu.memory_space<hbm>>) dst(%dma_wait3A_388 : memref<128xf32, #tpu.memory_space<vmem>>)
      %dma_wait3A_393 = arith.constant 1664 : i32
      %dma_wait3A_394 = tpu.memref_slice %arg14[%dma_wait3A_393] : memref<2048xf32, #tpu.memory_space<vmem>> -> memref<128xf32, #tpu.memory_space<vmem>>
      %dma_wait3A_395 = arith.constant 1664 : i32
      %dma_wait3A_396 = tpu.memref_slice %arg12[%dma_wait3A_395] : memref<2048xi32, #tpu.memory_space<vmem>> -> memref<128xi32, #tpu.memory_space<vmem>>
      %dma_wait3A_397 = arith.constant 0 : i32
      %dma_wait3A_398 = tpu.memref_slice %arg5[%dma_wait3A_397] : memref<12800000xf32, #tpu.memory_space<hbm>> -> memref<12800000xf32, #tpu.memory_space<hbm>>
      tpu.wait_indirect_dma semaphore(%arg17 : memref<!tpu.dma_semaphore, #tpu.memory_space<semaphore_mem>>) src(%dma_wait3A_398 : memref<12800000xf32, #tpu.memory_space<hbm>>) dst(%dma_wait3A_394 : memref<128xf32, #tpu.memory_space<vmem>>)
      %dma_wait3A_399 = arith.constant 1792 : i32
      %dma_wait3A_400 = tpu.memref_slice %arg13[%dma_wait3A_399] : memref<2048xf32, #tpu.memory_space<vmem>> -> memref<128xf32, #tpu.memory_space<vmem>>
      %dma_wait3A_401 = arith.constant 1792 : i32
      %dma_wait3A_402 = tpu.memref_slice %arg11[%dma_wait3A_401] : memref<2048xi32, #tpu.memory_space<vmem>> -> memref<128xi32, #tpu.memory_space<vmem>>
      %dma_wait3A_403 = arith.constant 0 : i32
      %dma_wait3A_404 = tpu.memref_slice %arg5[%dma_wait3A_403] : memref<12800000xf32, #tpu.memory_space<hbm>> -> memref<12800000xf32, #tpu.memory_space<hbm>>
      tpu.wait_indirect_dma semaphore(%arg17 : memref<!tpu.dma_semaphore, #tpu.memory_space<semaphore_mem>>) src(%dma_wait3A_404 : memref<12800000xf32, #tpu.memory_space<hbm>>) dst(%dma_wait3A_400 : memref<128xf32, #tpu.memory_space<vmem>>)
      %dma_wait3A_405 = arith.constant 1792 : i32
      %dma_wait3A_406 = tpu.memref_slice %arg14[%dma_wait3A_405] : memref<2048xf32, #tpu.memory_space<vmem>> -> memref<128xf32, #tpu.memory_space<vmem>>
      %dma_wait3A_407 = arith.constant 1792 : i32
      %dma_wait3A_408 = tpu.memref_slice %arg12[%dma_wait3A_407] : memref<2048xi32, #tpu.memory_space<vmem>> -> memref<128xi32, #tpu.memory_space<vmem>>
      %dma_wait3A_409 = arith.constant 0 : i32
      %dma_wait3A_410 = tpu.memref_slice %arg5[%dma_wait3A_409] : memref<12800000xf32, #tpu.memory_space<hbm>> -> memref<12800000xf32, #tpu.memory_space<hbm>>
      tpu.wait_indirect_dma semaphore(%arg17 : memref<!tpu.dma_semaphore, #tpu.memory_space<semaphore_mem>>) src(%dma_wait3A_410 : memref<12800000xf32, #tpu.memory_space<hbm>>) dst(%dma_wait3A_406 : memref<128xf32, #tpu.memory_space<vmem>>)
      %dma_wait3A_411 = arith.constant 1920 : i32
      %dma_wait3A_412 = tpu.memref_slice %arg13[%dma_wait3A_411] : memref<2048xf32, #tpu.memory_space<vmem>> -> memref<128xf32, #tpu.memory_space<vmem>>
      %dma_wait3A_413 = arith.constant 1920 : i32
      %dma_wait3A_414 = tpu.memref_slice %arg11[%dma_wait3A_413] : memref<2048xi32, #tpu.memory_space<vmem>> -> memref<128xi32, #tpu.memory_space<vmem>>
      %dma_wait3A_415 = arith.constant 0 : i32
      %dma_wait3A_416 = tpu.memref_slice %arg5[%dma_wait3A_415] : memref<12800000xf32, #tpu.memory_space<hbm>> -> memref<12800000xf32, #tpu.memory_space<hbm>>
      tpu.wait_indirect_dma semaphore(%arg17 : memref<!tpu.dma_semaphore, #tpu.memory_space<semaphore_mem>>) src(%dma_wait3A_416 : memref<12800000xf32, #tpu.memory_space<hbm>>) dst(%dma_wait3A_412 : memref<128xf32, #tpu.memory_space<vmem>>)
      %dma_wait3A_417 = arith.constant 1920 : i32
      %dma_wait3A_418 = tpu.memref_slice %arg14[%dma_wait3A_417] : memref<2048xf32, #tpu.memory_space<vmem>> -> memref<128xf32, #tpu.memory_space<vmem>>
      %dma_wait3A_419 = arith.constant 1920 : i32
      %dma_wait3A_420 = tpu.memref_slice %arg12[%dma_wait3A_419] : memref<2048xi32, #tpu.memory_space<vmem>> -> memref<128xi32, #tpu.memory_space<vmem>>
      %dma_wait3A_421 = arith.constant 0 : i32
      %dma_wait3A_422 = tpu.memref_slice %arg5[%dma_wait3A_421] : memref<12800000xf32, #tpu.memory_space<hbm>> -> memref<12800000xf32, #tpu.memory_space<hbm>>
      tpu.wait_indirect_dma semaphore(%arg17 : memref<!tpu.dma_semaphore, #tpu.memory_space<semaphore_mem>>) src(%dma_wait3A_422 : memref<12800000xf32, #tpu.memory_space<hbm>>) dst(%dma_wait3A_418 : memref<128xf32, #tpu.memory_space<vmem>>)
      %scan3A_423 = arith.constant 0 : i32
      %scan3A_424 = arith.constant 128 : i32
      %scan3A_425 = arith.addi %scan3A_423, %scan3A_424 : i32
      %scan3A_426 = arith.constant 1 : i32
      %scan3A_427 = scf.for %scan3A_429 = %scan3A_423 to %scan3A_425 step %scan3A_426 iter_args(%scan3A_430 = %while3A_31) -> (vector<16xf32>)  : i32 {
        %mul3A_431 = arith.constant 16 : i32
        %mul3A_432 = arith.muli %scan3A_429, %mul3A_431 : i32
        %get3A = arith.index_cast %mul3A_432 : i32 to index
        %get3A_433 = tpu.vector_load %arg13[%get3A] {strides = array<i32>} : memref<2048xf32, #tpu.memory_space<vmem>>, vector<16xf32>,
        %add3A_434 = arith.addf %scan3A_430, %get3A_433 : vector<16xf32>
        %get3A_435 = arith.index_cast %mul3A_432 : i32 to index
        %get3A_436 = tpu.vector_load %arg14[%get3A_435] {strides = array<i32>} : memref<2048xf32, #tpu.memory_space<vmem>>, vector<16xf32>,
        %add3A_437 = arith.addf %add3A_434, %get3A_436 : vector<16xf32>
        scf.yield %add3A_437 : vector<16xf32>
      }
      %scan3A_428 = arith.constant 128 : i32
      scf.yield %scan3A_427 : vector<16xf32>
    }
    %swap3A = arith.constant 0 : index
    %swap3A_29 = tpu.vector_load %arg16[%swap3A] {strides = array<i32>} : memref<16xf32, #tpu.memory_space<vmem>>, vector<16xf32>,
    tpu.vector_store %arg16[%swap3A], %while3A_28 {strides = array<i32>} : memref<16xf32, #tpu.memory_space<vmem>>, vector<16xf32>,
    "tpu.region"() ({
      %run_scoped3A = tpu.sem_alloc : memref<!tpu.dma_semaphore, #tpu.memory_space<semaphore_mem>>
      %dma_start3A = arith.constant 0 : i32
      %dma_start3A_30 = tpu.memref_slice %arg7[%add3A, %dma_start3A] : memref<32x16xf32, #tpu.memory_space<hbm>> -> memref<1x16xf32, #tpu.memory_space<hbm>>
      %dma_start3A_31 = tpu.memref_squeeze %dma_start3A_30 : memref<1x16xf32, #tpu.memory_space<hbm>> -> memref<16xf32, #tpu.memory_space<hbm>>
      %dma_start3A_32 = arith.constant 0 : i32
      %dma_start3A_33 = tpu.memref_slice %arg7[%add3A, %dma_start3A_32] : memref<32x16xf32, #tpu.memory_space<hbm>> -> memref<1x16xf32, #tpu.memory_space<hbm>>
      %dma_start3A_34 = tpu.memref_squeeze %dma_start3A_33 : memref<1x16xf32, #tpu.memory_space<hbm>> -> memref<16xf32, #tpu.memory_space<hbm>>
      tpu.enqueue_dma source(%arg16 : memref<16xf32, #tpu.memory_space<vmem>>) target(%dma_start3A_34 : memref<16xf32, #tpu.memory_space<hbm>>) target_semaphore(%run_scoped3A : memref<!tpu.dma_semaphore, #tpu.memory_space<semaphore_mem>>)
      %dma_wait3A = arith.constant 0 : i32
      %dma_wait3A_35 = tpu.memref_slice %arg7[%add3A, %dma_wait3A] : memref<32x16xf32, #tpu.memory_space<hbm>> -> memref<1x16xf32, #tpu.memory_space<hbm>>
      %dma_wait3A_36 = tpu.memref_squeeze %dma_wait3A_35 : memref<1x16xf32, #tpu.memory_space<hbm>> -> memref<16xf32, #tpu.memory_space<hbm>>
      %dma_wait3A_37 = arith.constant 0 : i32
      %dma_wait3A_38 = tpu.memref_slice %arg7[%add3A, %dma_wait3A_37] : memref<32x16xf32, #tpu.memory_space<hbm>> -> memref<1x16xf32, #tpu.memory_space<hbm>>
      %dma_wait3A_39 = tpu.memref_squeeze %dma_wait3A_38 : memref<1x16xf32, #tpu.memory_space<hbm>> -> memref<16xf32, #tpu.memory_space<hbm>>
      tpu.wait_dma2 semaphore(%run_scoped3A : memref<!tpu.dma_semaphore, #tpu.memory_space<semaphore_mem>>) src(%arg16 : memref<16xf32, #tpu.memory_space<vmem>>) dst(%dma_wait3A_39 : memref<16xf32, #tpu.memory_space<hbm>>)
      tpu.yield
    }) : () -> ()
    "tpu.region"() ({
      %run_scoped3A = tpu.sem_alloc : memref<!tpu.dma_semaphore, #tpu.memory_space<semaphore_mem>>
      %dma_start3A = arith.constant 0 : i32
      %dma_start3A_30 = arith.constant 0 : i32
      %dma_start3A_31 = tpu.memref_slice %arg6[%add3A, %dma_start3A, %dma_start3A_30] : memref<32x128x16xi32, #tpu.memory_space<hbm>> -> memref<1x128x16xi32, #tpu.memory_space<hbm>>
      %dma_start3A_32 = tpu.memref_squeeze %dma_start3A_31 : memref<1x128x16xi32, #tpu.memory_space<hbm>> -> memref<128x16xi32, #tpu.memory_space<hbm>>
      %dma_start3A_33 = arith.constant 0 : i32
      %dma_start3A_34 = arith.constant 0 : i32
      %dma_start3A_35 = tpu.memref_slice %arg6[%add3A, %dma_start3A_33, %dma_start3A_34] : memref<32x128x16xi32, #tpu.memory_space<hbm>> -> memref<1x128x16xi32, #tpu.memory_space<hbm>>
      %dma_start3A_36 = tpu.memref_squeeze %dma_start3A_35 : memref<1x128x16xi32, #tpu.memory_space<hbm>> -> memref<128x16xi32, #tpu.memory_space<hbm>>
      tpu.enqueue_dma source(%arg15 : memref<128x16xi32, #tpu.memory_space<vmem>>) target(%dma_start3A_36 : memref<128x16xi32, #tpu.memory_space<hbm>>) target_semaphore(%run_scoped3A : memref<!tpu.dma_semaphore, #tpu.memory_space<semaphore_mem>>)
      %dma_wait3A = arith.constant 0 : i32
      %dma_wait3A_37 = arith.constant 0 : i32
      %dma_wait3A_38 = tpu.memref_slice %arg6[%add3A, %dma_wait3A, %dma_wait3A_37] : memref<32x128x16xi32, #tpu.memory_space<hbm>> -> memref<1x128x16xi32, #tpu.memory_space<hbm>>
      %dma_wait3A_39 = tpu.memref_squeeze %dma_wait3A_38 : memref<1x128x16xi32, #tpu.memory_space<hbm>> -> memref<128x16xi32, #tpu.memory_space<hbm>>
      %dma_wait3A_40 = arith.constant 0 : i32
      %dma_wait3A_41 = arith.constant 0 : i32
      %dma_wait3A_42 = tpu.memref_slice %arg6[%add3A, %dma_wait3A_40, %dma_wait3A_41] : memref<32x128x16xi32, #tpu.memory_space<hbm>> -> memref<1x128x16xi32, #tpu.memory_space<hbm>>
      %dma_wait3A_43 = tpu.memref_squeeze %dma_wait3A_42 : memref<1x128x16xi32, #tpu.memory_space<hbm>> -> memref<128x16xi32, #tpu.memory_space<hbm>>
      tpu.wait_dma2 semaphore(%run_scoped3A : memref<!tpu.dma_semaphore, #tpu.memory_space<semaphore_mem>>) src(%arg15 : memref<128x16xi32, #tpu.memory_space<vmem>>) dst(%dma_wait3A_43 : memref<128x16xi32, #tpu.memory_space<hbm>>)
      tpu.yield
    }) : () -> ()
    return
  }
}

module attributes {stable_mosaic.version = 14 : i64} {
  func.func @_finish_body(%arg0: memref<512x128xi32, #tpu.memory_space<vmem>>, %arg1: memref<32x16xf32, #tpu.memory_space<vmem>>, %arg2: memref<32x128xf32, #tpu.memory_space<vmem>>, %arg3: memref<32x1xf32, #tpu.memory_space<vmem>>, %arg4: memref<1x1xf32, #tpu.memory_space<vmem>>, %arg5: memref<32x1xf32, #tpu.memory_space<vmem>>, %arg6: memref<32x1xf32, #tpu.memory_space<vmem>>, %arg7: memref<32x1xf32, #tpu.memory_space<vmem>>, %arg8: memref<32x1xf32, #tpu.memory_space<vmem>>) attributes {dimension_semantics = [], scalar_prefetch = 0 : i64, scratch_operands = 0 : i64, tpu.core_type = #tpu.core_type<tc>} {
    %get3A = arith.constant 0 : index
    %get3A_0 = arith.constant 0 : index
    %get3A_1 = vector.load %arg0[%get3A, %get3A_0] : memref<512x128xi32, #tpu.memory_space<vmem>>, vector<512x128xi32>
    %convert_element_type3A = arith.sitofp %get3A_1 : vector<512x128xi32> to vector<512x128xf32>
    %reduce_sum3A = arith.constant dense<0.000000e+00> : vector<128xf32>
    %reduce_sum3A_2 = vector.multi_reduction <add>, %convert_element_type3A, %reduce_sum3A [0] : vector<512x128xf32> to vector<128xf32>
    %broadcast_in_dim3A = vector.shape_cast %reduce_sum3A_2 : vector<128xf32> to vector<1x128xf32>
    %reduce_sum3A_3 = vector.shape_cast %broadcast_in_dim3A : vector<1x128xf32> to vector<1x1x128xf32>
    %reduce_sum3A_4 = arith.constant dense<0.000000e+00> : vector<1xf32>
    %reduce_sum3A_5 = vector.multi_reduction <add>, %reduce_sum3A_3, %reduce_sum3A_4 [1, 2] : vector<1x1x128xf32> to vector<1xf32>
    %reduce_sum3A_6 = vector.shape_cast %reduce_sum3A_5 : vector<1xf32> to vector<1x1x1xf32>
    %reduce_sum3A_7 = vector.extract %reduce_sum3A_6[0, 0, 0] : f32 from vector<1x1x1xf32>
    %div3A = vector.broadcast %reduce_sum3A_7 : f32 to vector<1x128xf32>
    %div3A_8 = arith.divf %broadcast_in_dim3A, %div3A : vector<1x128xf32>
    %get3A_9 = arith.constant 0 : index
    %get3A_10 = arith.constant 0 : index
    %get3A_11 = vector.load %arg2[%get3A_9, %get3A_10] : memref<32x128xf32, #tpu.memory_space<vmem>>, vector<32x128xf32>
    %mul3A = vector.broadcast %div3A_8 : vector<1x128xf32> to vector<32x128xf32>
    %mul3A_12 = arith.mulf %get3A_11, %mul3A : vector<32x128xf32>
    %reduce_sum3A_13 = arith.constant dense<0.000000e+00> : vector<32xf32>
    %reduce_sum3A_14 = vector.multi_reduction <add>, %mul3A_12, %reduce_sum3A_13 [1] : vector<32x128xf32> to vector<32xf32>
    %broadcast_in_dim3A_15 = vector.shape_cast %reduce_sum3A_14 : vector<32xf32> to vector<32x1xf32>
    %reduce_max3A = vector.shape_cast %broadcast_in_dim3A_15 : vector<32x1xf32> to vector<1x32x1xf32>
    %reduce_max3A_16 = arith.constant dense<0xFF800000> : vector<1xf32>
    %reduce_max3A_17 = vector.multi_reduction <maximumf>, %reduce_max3A, %reduce_max3A_16 [1, 2] : vector<1x32x1xf32> to vector<1xf32>
    %reduce_max3A_18 = vector.shape_cast %reduce_max3A_17 : vector<1xf32> to vector<1x1x1xf32>
    %reduce_max3A_19 = vector.extract %reduce_max3A_18[0, 0, 0] : f32 from vector<1x1x1xf32>
    %sub3A = vector.broadcast %reduce_max3A_19 : f32 to vector<32x1xf32>
    %sub3A_20 = arith.subf %broadcast_in_dim3A_15, %sub3A : vector<32x1xf32>
    %exp3A = math.exp %sub3A_20 : vector<32x1xf32>
    %reduce_sum3A_21 = vector.shape_cast %exp3A : vector<32x1xf32> to vector<1x32x1xf32>
    %reduce_sum3A_22 = arith.constant dense<0.000000e+00> : vector<1xf32>
    %reduce_sum3A_23 = vector.multi_reduction <add>, %reduce_sum3A_21, %reduce_sum3A_22 [1, 2] : vector<1x32x1xf32> to vector<1xf32>
    %reduce_sum3A_24 = vector.shape_cast %reduce_sum3A_23 : vector<1xf32> to vector<1x1x1xf32>
    %reduce_sum3A_25 = vector.extract %reduce_sum3A_24[0, 0, 0] : f32 from vector<1x1x1xf32>
    %div3A_26 = vector.broadcast %reduce_sum3A_25 : f32 to vector<32x1xf32>
    %div3A_27 = arith.divf %exp3A, %div3A_26 : vector<32x1xf32>
    %get3A_28 = arith.constant 0 : index
    %get3A_29 = arith.constant 0 : index
    %get3A_30 = vector.load %arg1[%get3A_28, %get3A_29] : memref<32x16xf32, #tpu.memory_space<vmem>>, vector<32x16xf32>
    %reduce_sum3A_31 = vector.shape_cast %get3A_30 : vector<32x16xf32> to vector<1x32x16xf32>
    %reduce_sum3A_32 = arith.constant dense<0.000000e+00> : vector<1xf32>
    %reduce_sum3A_33 = vector.multi_reduction <add>, %reduce_sum3A_31, %reduce_sum3A_32 [1, 2] : vector<1x32x16xf32> to vector<1xf32>
    %reduce_sum3A_34 = vector.shape_cast %reduce_sum3A_33 : vector<1xf32> to vector<1x1x1xf32>
    %reduce_sum3A_35 = vector.extract %reduce_sum3A_34[0, 0, 0] : f32 from vector<1x1x1xf32>
    %div3A_36 = arith.constant 1.280000e+07 : f32
    %div3A_37 = arith.divf %reduce_sum3A_35, %div3A_36 : f32
    %sub3A_38 = arith.constant 5.000000e-01 : f32
    %sub3A_39 = arith.subf %div3A_37, %sub3A_38 : f32
    %neg3A = arith.constant 0.000000e+00 : f32
    %neg3A_40 = arith.subf %neg3A, %sub3A_39 : f32
    %mul3A_41 = arith.constant 1.000000e+01 : f32
    %mul3A_42 = arith.mulf %neg3A_40, %mul3A_41 : f32
    %exp3A_43 = math.exp %mul3A_42 : f32
    %add3A = arith.constant 1.000000e+00 : f32
    %add3A_44 = arith.addf %add3A, %exp3A_43 : f32
    %div3A_45 = arith.constant 1.000000e+00 : f32
    %div3A_46 = arith.divf %div3A_45, %add3A_44 : f32
    %get3A_47 = arith.constant 0 : index
    %get3A_48 = arith.constant 0 : index
    %get3A_49 = vector.load %arg6[%get3A_47, %get3A_48] : memref<32x1xf32, #tpu.memory_space<vmem>>, vector<32x1xf32>
    %mul3A_50 = vector.broadcast %div3A_46 : f32 to vector<32x1xf32>
    %mul3A_51 = arith.mulf %get3A_49, %mul3A_50 : vector<32x1xf32>
    %sub3A_52 = arith.constant 1.000000e+00 : f32
    %sub3A_53 = vector.broadcast %sub3A_52 : f32 to vector<32x1xf32>
    %sub3A_54 = arith.subf %sub3A_53, %get3A_49 : vector<32x1xf32>
    %sub3A_55 = arith.constant 1.000000e+00 : f32
    %sub3A_56 = arith.subf %sub3A_55, %div3A_46 : f32
    %mul3A_57 = vector.broadcast %sub3A_56 : f32 to vector<32x1xf32>
    %mul3A_58 = arith.mulf %sub3A_54, %mul3A_57 : vector<32x1xf32>
    %add3A_59 = arith.addf %mul3A_51, %mul3A_58 : vector<32x1xf32>
    %reduce_max3A_60 = vector.shape_cast %add3A_59 : vector<32x1xf32> to vector<1x32x1xf32>
    %reduce_max3A_61 = arith.constant dense<0xFF800000> : vector<1xf32>
    %reduce_max3A_62 = vector.multi_reduction <maximumf>, %reduce_max3A_60, %reduce_max3A_61 [1, 2] : vector<1x32x1xf32> to vector<1xf32>
    %reduce_max3A_63 = vector.shape_cast %reduce_max3A_62 : vector<1xf32> to vector<1x1x1xf32>
    %reduce_max3A_64 = vector.extract %reduce_max3A_63[0, 0, 0] : f32 from vector<1x1x1xf32>
    %sub3A_65 = vector.broadcast %reduce_max3A_64 : f32 to vector<32x1xf32>
    %sub3A_66 = arith.subf %add3A_59, %sub3A_65 : vector<32x1xf32>
    %exp3A_67 = math.exp %sub3A_66 : vector<32x1xf32>
    %reduce_sum3A_68 = vector.shape_cast %exp3A_67 : vector<32x1xf32> to vector<1x32x1xf32>
    %reduce_sum3A_69 = arith.constant dense<0.000000e+00> : vector<1xf32>
    %reduce_sum3A_70 = vector.multi_reduction <add>, %reduce_sum3A_68, %reduce_sum3A_69 [1, 2] : vector<1x32x1xf32> to vector<1xf32>
    %reduce_sum3A_71 = vector.shape_cast %reduce_sum3A_70 : vector<1xf32> to vector<1x1x1xf32>
    %reduce_sum3A_72 = vector.extract %reduce_sum3A_71[0, 0, 0] : f32 from vector<1x1x1xf32>
    %div3A_73 = vector.broadcast %reduce_sum3A_72 : f32 to vector<32x1xf32>
    %div3A_74 = arith.divf %exp3A_67, %div3A_73 : vector<32x1xf32>
    %get3A_75 = arith.constant 0 : index
    %get3A_76 = arith.constant 0 : index
    %get3A_77 = vector.load %arg4[%get3A_75, %get3A_76] : memref<1x1xf32, #tpu.memory_space<vmem>>, vector<1x1xf32>
    %get3A_78 = vector.extract %get3A_77[0, 0] : f32 from vector<1x1xf32>
    %neg3A_79 = arith.constant 0.000000e+00 : f32
    %neg3A_80 = arith.subf %neg3A_79, %get3A_78 : f32
    %exp3A_81 = math.exp %neg3A_80 : f32
    %add3A_82 = arith.constant 1.000000e+00 : f32
    %add3A_83 = arith.addf %add3A_82, %exp3A_81 : f32
    %div3A_84 = arith.constant 1.000000e+00 : f32
    %div3A_85 = arith.divf %div3A_84, %add3A_83 : f32
    %mul3A_86 = vector.broadcast %div3A_85 : f32 to vector<32x1xf32>
    %mul3A_87 = arith.mulf %mul3A_86, %div3A_74 : vector<32x1xf32>
    %sub3A_88 = arith.constant 1.000000e+00 : f32
    %sub3A_89 = arith.subf %sub3A_88, %div3A_85 : f32
    %mul3A_90 = vector.broadcast %sub3A_89 : f32 to vector<32x1xf32>
    %mul3A_91 = arith.mulf %mul3A_90, %div3A_27 : vector<32x1xf32>
    %add3A_92 = arith.addf %mul3A_87, %mul3A_91 : vector<32x1xf32>
    %get3A_93 = arith.constant 0 : index
    %get3A_94 = arith.constant 0 : index
    %get3A_95 = vector.load %arg3[%get3A_93, %get3A_94] : memref<32x1xf32, #tpu.memory_space<vmem>>, vector<32x1xf32>
    %neg3A_96 = arith.constant 0.000000e+00 : f32
    %neg3A_97 = vector.broadcast %neg3A_96 : f32 to vector<32x1xf32>
    %neg3A_98 = arith.subf %neg3A_97, %get3A_95 : vector<32x1xf32>
    %exp3A_99 = math.exp %neg3A_98 : vector<32x1xf32>
    %add3A_100 = arith.constant 1.000000e+00 : f32
    %add3A_101 = vector.broadcast %add3A_100 : f32 to vector<32x1xf32>
    %add3A_102 = arith.addf %add3A_101, %exp3A_99 : vector<32x1xf32>
    %div3A_103 = arith.constant 1.000000e+00 : f32
    %div3A_104 = vector.broadcast %div3A_103 : f32 to vector<32x1xf32>
    %div3A_105 = arith.divf %div3A_104, %add3A_102 : vector<32x1xf32>
    %mul3A_106 = arith.mulf %add3A_92, %div3A_105 : vector<32x1xf32>
    %swap3A = arith.constant 0 : index
    %swap3A_107 = arith.constant 0 : index
    %swap3A_108 = vector.load %arg8[%swap3A, %swap3A_107] : memref<32x1xf32, #tpu.memory_space<vmem>>, vector<32x1xf32>
    tpu.vector_store %arg8[%swap3A, %swap3A_107], %mul3A_106 {strides = array<i32>} : memref<32x1xf32, #tpu.memory_space<vmem>>, vector<32x1xf32>,
    %get3A_109 = arith.constant 0 : index
    %get3A_110 = arith.constant 0 : index
    %get3A_111 = vector.load %arg5[%get3A_109, %get3A_110] : memref<32x1xf32, #tpu.memory_space<vmem>>, vector<32x1xf32>
    %add3A_112 = arith.addf %mul3A_106, %get3A_111 : vector<32x1xf32>
    %div3A_113 = arith.constant 1.000000e-01 : f32
    %div3A_114 = vector.broadcast %div3A_113 : f32 to vector<32x1xf32>
    %div3A_115 = arith.divf %add3A_112, %div3A_114 : vector<32x1xf32>
    %logistic3A = arith.negf %div3A_115 : vector<32x1xf32>
    %logistic3A_116 = math.exp %logistic3A : vector<32x1xf32>
    %logistic3A_117 = arith.constant 1.000000e+00 : f32
    %logistic3A_118 = vector.broadcast %logistic3A_117 : f32 to vector<32x1xf32>
    %logistic3A_119 = arith.addf %logistic3A_118, %logistic3A_116 : vector<32x1xf32>
    %logistic3A_120 = arith.divf %logistic3A_118, %logistic3A_119 : vector<32x1xf32>
    %broadcast_in_dim3A_121 = arith.constant 1.000000e+00 : f32
    %broadcast_in_dim3A_122 = vector.broadcast %broadcast_in_dim3A_121 : f32 to vector<32x1xf32>
    %dot_general3A = arith.constant dense<0.000000e+00> : vector<32x32xf32>
    %dot_general3A_123 = tpu.matmul %broadcast_in_dim3A_122, %logistic3A_120, %dot_general3A {dimension_numbers = #tpu.dot_dimension_numbers<[1], [1], [0], [0], [0, 0, 1, 0], [], []>, precision = #tpu.contract_precision<fp32>, transpose_lhs_hint = false} : vector<32x1xf32>, vector<32x1xf32>, vector<32x32xf32> -> vector<32x32xf32>
    %iota3A = tpu.iota {dimensions = array<i32: 0>} : vector<32x32xi32>
    %iota3A_124 = tpu.iota {dimensions = array<i32: 1>} : vector<32x32xi32>
    %gt3A = vector.broadcast %logistic3A_120 : vector<32x1xf32> to vector<32x32xf32>
    %gt3A_125 = arith.cmpf ogt, %dot_general3A_123, %gt3A : vector<32x32xf32>
    %eq3A = vector.broadcast %logistic3A_120 : vector<32x1xf32> to vector<32x32xf32>
    %eq3A_126 = arith.cmpf oeq, %dot_general3A_123, %eq3A : vector<32x32xf32>
    %lt3A = arith.cmpi slt, %iota3A_124, %iota3A : vector<32x32xi32>
    %and3A = arith.andi %eq3A_126, %lt3A : vector<32x32xi1>
    %or3A = arith.ori %gt3A_125, %and3A : vector<32x32xi1>
    %convert_element_type3A_127 = arith.extui %or3A : vector<32x32xi1> to vector<32x32xi32>
    %reduce_sum3A_128 = arith.constant dense<0> : vector<32xi32>
    %reduce_sum3A_129 = vector.multi_reduction <add>, %convert_element_type3A_127, %reduce_sum3A_128 [1] : vector<32x32xi32> to vector<32xi32>
    %broadcast_in_dim3A_130 = vector.shape_cast %reduce_sum3A_129 : vector<32xi32> to vector<32x1xi32>
    %lt3A_131 = arith.constant 16 : i32
    %lt3A_132 = vector.broadcast %lt3A_131 : i32 to vector<32x1xi32>
    %lt3A_133 = arith.cmpi slt, %broadcast_in_dim3A_130, %lt3A_132 : vector<32x1xi32>
    %convert_element_type3A_134 = arith.extui %lt3A_133 : vector<32x1xi1> to vector<32x1xi32>
    %convert_element_type3A_135 = arith.sitofp %convert_element_type3A_134 : vector<32x1xi32> to vector<32x1xf32>
    %swap3A_136 = arith.constant 0 : index
    %swap3A_137 = arith.constant 0 : index
    %swap3A_138 = vector.load %arg7[%swap3A_136, %swap3A_137] : memref<32x1xf32, #tpu.memory_space<vmem>>, vector<32x1xf32>
    tpu.vector_store %arg7[%swap3A_136, %swap3A_137], %convert_element_type3A_135 {strides = array<i32>} : memref<32x1xf32, #tpu.memory_space<vmem>>, vector<32x1xf32>,
    return
  }
}

</mosaic_0001>

<sc_bundles>
// kernel: kernel.4.cloned.1.call-start
scs
__scs_entry_jumppad:
0x0: {  	(pc) =	sbr.rel $0x88, $3  }
0x1: {  	(tag) =	ssettag $0x0;
	lr =	simm.s32 $0x1  }
0x2: {  	[smem:$0x3F9B] =	sst lr;
	_ =	strace $0xD0000000  }
0x3: {  	_ = 	snop  }
0x4: {  	_ = 	snop  }
0x5: {  	_ = 	snop  }
0x6: {  	_ = 	snop  }
0x7: {  	_ = 	snop  }
__scs_overlays_trampoline_lowered:
0x8: {  	[smem:$0x3FAA] =	sst s0  }
0x9: {  	[smem:$0x3FAB] =	sst s1  }
0xa: {  	[smem:$0x3FAC] =	sst s2  }
0xb: {  	[smem:$0x3FAD] =	sst s3  }
0xc: {  	[smem:$0x3FAE] =	sst s4  }
0xd: {  	[smem:$0x3FAF] =	sst s5  }
0xe: {  	[smem:$0x3FB0] =	sst s6  }
0xf: {  	[smem:$0x3FB1] =	sst s7  }
0x10: {  	[smem:$0x3FB2] =	sst s8  }
0x11: {  	[smem:$0x3FB3] =	sst s9;
	s0 =	simm.s32 @!p0 $0x0  }
0x12: {  	s1 =	sld [smem:$0x3F99];
	s0 =	simm.s32 @p0 $0x1  }
0x13: {  	[smem:$0x3FB4] =	sst s0;
	s0 =	simm.s32 @!p1 $0x0  }
0x14: {  	s2 =	sld [smem:$0x3F98];
	s0 =	simm.s32 @p1 $0x1  }
0x15: {  	[smem:$0x3FB5] =	sst s0;
	s0 =	simm.s32 @!p2 $0x0  }
0x16: {  	s3 =	sld [smem:$0x3FDB];
	s0 =	simm.s32 @p2 $0x1  }
0x17: {  	s4 =	simm.s32 $0x1BF5;
	[smem:$0x3FB7] =	sst s0  }
0x18: {  	s0 =	sld [smem:$0x3F9A];
	_ =	swait.ge [sflag:s4], $0x0  }
0x19: {  	s7 =	sld [smem:$0x3F9B]  }
0x1a: {  	s8 =	sadd.s32 $0xFFFFE003, lr  }
0x1b: {  	s9 =	sadd.s32 $0xFFFFFEF7, lr;
	s5 =	simm.s32 $0xFFFFFFFF;
	p2 =	slt.u32 s8, $0xFFFFF086  }
0x1c: {  	p1 =	slt.u32 s9, $0xF7A;
	s5 =	simm.s32 @!p2 $0x0  }
0x1d: {  	s5 =	simm.s32 @p1 $0x1;
	p0 =	seq.s32 s7, s2  }
0x1e: {  	s7 =	smul.u32 @!p0 $0xF7A, s2;
	p2 =	seq.s32 @!p0 s5, $0x0  }
0x1f: {  	s9 =	smul.u32 $0xF7A, s1;
	s8 =	simm.s32 @!p0 $0x1BF5;
	p2 =	por !p2, p0  }
0x20: {  	[sflag:s8] =	ssyncset.s32 @!p0 $0xFFFFF086;
	s6 =	sadd.s32 @!p0 s3, s7;
	s7 =	simm.s32 @!p0 $0x108  }
0x21: {  	s3 =	sadd.s32 s3, s9;
	s6 =	sadd.s32 @!p0 $0x88, s6;
	s7 =	simm.s32 @p2 $0x1082  }
0x22: {  	[simem:s7], [sflag:s8] =	dma.local @!p0 [hbm:s6], $0xF7A  }
0x23: {  	s9 =	sor.u32 $0xD0000000, s2;
	s6 =	simm.s32 $0x108;
	_ =	swait.ge @!p0 [sflag:s8], $0x0  }
0x24: {  	s3 =	sadd.s32 $0x88, s3;
	s6 =	simm.s32 @!p1 $0x1082;
	[sflag:s4] =	ssyncset.s32 $0xFFFFF086  }
0x25: {  	[simem:s6], [sflag:s4] =	dma.local [hbm:s3], $0xF7A  }
0x26: {  	[smem:$0x3F9B] =	sst s1;
	(tag) =	ssettag s2;
	_ =	strace s9  }
0x27: {  	s1 =	sld [smem:$0x3FAB]  }
0x28: {  	s2 =	sld [smem:$0x3FAC]  }
0x29: {  	s4 =	sld [smem:$0x3FAE]  }
0x2a: {  	p0 =	seq.s32 s5, $0x0;
	s5 =	sld [smem:$0x3FAF]  }
0x2b: {  	s6 =	sld [smem:$0x3FB0]  }
0x2c: {  	s7 =	sld [smem:$0x3FB1]  }
0x2d: {  	s3 =	simm.s32 $0x108;
	s8 =	sld [smem:$0x3FB2]  }
0x2e: {  	s3 =	simm.s32 @!p0 $0x1082;
	s9 =	sld [smem:$0x3FB3]  }
0x2f: {  	lr =	sadd.s32 s0, s3;
	s0 =	sld [smem:$0x3FAA]  }
0x30: {  	s3 =	sld [smem:$0x3FAD]  }
0x31: {  	[smem:$0x3FB6] =	sst s10  }
0x32: {  	s10 =	sld [smem:$0x3FB4];
	_ =	sdelay $0x3  }
0x33: {  	p0 =	seq.s32 s10, $0x1;
	s10 =	sld [smem:$0x3FB6];
	_ =	sdelay $0x3  }
0x34: {  	[smem:$0x3FB6] =	sst s10  }
0x35: {  	s10 =	sld [smem:$0x3FB5];
	_ =	sdelay $0x3  }
0x36: {  	p1 =	seq.s32 s10, $0x1;
	s10 =	sld [smem:$0x3FB6];
	_ =	sdelay $0x3  }
0x37: {  	[smem:$0x3FB6] =	sst s10  }
0x38: {  	s10 =	sld [smem:$0x3FB7]  }
0x39: {  	_ = 	snop;
	(pc) =	sbr.ind lr, $3  }
0x3a: {  	_ = 	snop  }
0x3b: {  	_ = 	snop  }
0x3c: {  	p2 =	seq.s32 s10, $0x1;
	s10 =	sld [smem:$0x3FB6]  }
0x3d: {  	_ =	shalt  }
0x3e: {  	_ =	shalt  }
0x3f: {  	_ =	shalt  }
0x40: {  	_ =	shalt  }
0x41: {  	_ =	shalt  }
0x42: {  	_ =	shalt  }
0x43: {  	_ =	shalt  }
0x44: {  	_ =	shalt  }
0x45: {  	_ =	shalt  }
0x46: {  	_ =	shalt  }
0x47: {  	_ =	shalt  }
0x48: {  	_ =	shalt  }
0x49: {  	_ =	shalt  }
0x4a: {  	_ =	shalt  }
0x4b: {  	_ =	shalt  }
0x4c: {  	_ =	shalt  }
0x4d: {  	_ =	shalt  }
0x4e: {  	_ =	shalt  }
0x4f: {  	_ =	shalt  }
0x50: {  	_ =	shalt  }
0x51: {  	_ =	shalt  }
0x52: {  	_ =	shalt  }
0x53: {  	_ =	shalt  }
0x54: {  	_ =	shalt  }
0x55: {  	_ =	shalt  }
0x56: {  	_ =	shalt  }
0x57: {  	_ =	shalt  }
0x58: {  	_ =	shalt  }
0x59: {  	_ =	shalt  }
0x5a: {  	_ =	shalt  }
0x5b: {  	_ =	shalt  }
0x5c: {  	_ =	shalt  }
0x5d: {  	_ =	shalt  }
0x5e: {  	_ =	shalt  }
0x5f: {  	_ =	shalt  }
0x60: {  	_ =	shalt  }
0x61: {  	_ =	shalt  }
0x62: {  	_ =	shalt  }
0x63: {  	_ =	shalt  }
0x64: {  	_ =	shalt  }
0x65: {  	_ =	shalt  }
0x66: {  	_ =	shalt  }
0x67: {  	_ =	shalt  }
0x68: {  	_ =	shalt  }
0x69: {  	_ =	shalt  }
0x6a: {  	_ =	shalt  }
0x6b: {  	_ =	shalt  }
0x6c: {  	_ =	shalt  }
0x6d: {  	_ =	shalt  }
0x6e: {  	_ =	shalt  }
0x6f: {  	_ =	shalt  }
0x70: {  	_ =	shalt  }
0x71: {  	_ =	shalt  }
0x72: {  	_ =	shalt  }
0x73: {  	_ =	shalt  }
0x74: {  	_ =	shalt  }
0x75: {  	_ =	shalt  }
0x76: {  	_ =	shalt  }
0x77: {  	_ =	shalt  }
0x78: {  	_ =	shalt  }
0x79: {  	_ =	shalt  }
0x7a: {  	_ =	shalt  }
0x7b: {  	_ =	shalt  }
0x7c: {  	_ =	shalt  }
0x7d: {  	_ =	shalt  }
0x7e: {  	_ =	shalt  }
0x7f: {  	_ =	shalt  }
0x80: {  	_ =	shalt  }
0x81: {  	_ =	shalt  }
0x82: {  	_ =	shalt  }
0x83: {  	_ =	shalt  }
0x84: {  	_ =	shalt  }
0x85: {  	_ =	shalt  }
0x86: {  	_ =	shalt  }
0x87: {  	_ =	shalt  }
.Lfunc_end0:
.L_simem_size_0:
called_computation_lowered:
.L_overlay_start_0:
0x88: {  	s2 =	sld [smem:$0x3FD9]  }
0x89: {  	s3 =	sld [smem:$0x3FFE];
	_ =	sdelay $0x1  }
0x8a: {  	s1 =	srdreg.scid  }
0x8b: {  	s0 =	sand.u32 $0x1, s1  }
0x8c: {  	s17 =	sshll.u32 s0, $0xA;
	s2 =	sadd.s32 s3, s2  }
0x8d: {  	s2 =	sadd.s32 s2, s17  }
0x8e: {  	[smem:$0x3FC2] =	sst s2  }
0x8f: {  	_ = 	snop  }
0x90: {  	s2 =	sld [smem:$0x3FC8]  }
0x91: {  	s18 =	sld [smem:$0x3FC7];
	(tm) =	ssettm $0x1  }
0x92: {  	s4 =	sld [smem:$0x3FFB];
	_ =	sdelay $0x3  }
0x93: {  	_ =	strace s4  }
0x94: {  	s4 =	sld [smem:$0x3FFC];
	_ =	sdelay $0x3  }
0x95: {  	_ =	strace s4  }
0x96: {  	s4 =	sld [smem:$0x3FFD];
	_ =	sdelay $0x3  }
0x97: {  	_ =	strace s4  }
0x98: {  	_ =	strace $0x8FFFFFFF  }
0x99: {  	s19 =	sld [smem:$0x3FDB];
	_ =	sdelay $0x1  }
0x9a: {  	s5 =	simm.s32 $_scs_section_size  }
0x9b: {  	s6 =	simm.s32 $_size__tile_overlayer_lowered;
	s7 =	simm.s32 $_tile_overlayer_lowered  }
0x9c: {  	s22 =	simm.s32 $0x1BFF;
	s21 =	sshll.u32 s7, $0x1;
	s4 =	sadd.s32 s5, s19  }
0x9d: {  	s8 =	simm.s32 $0x0;
	s20 =	sshll.u32 s6, $0x1;
	s6 =	sadd.s32 s21, s4  }
0x9e: {  	[timem:s8], [sflag:s22] =	dma.local [hbm:s6], s20  }
0x9f: {  	_ =	swait.ge [sflag:s22], s20  }
0xa0: {  	s5 =	ssub.s32 $0x0, s20;
	[sflag:s22] =	ssyncset.done $0x0  }
0xa1: {  	[sflag:s22] =	ssyncadd.s32 s5;
	_ =	sdelay $0x1  }
0xa2: {  	s23 =	simm.s32 $0x1B8B  }
0xa3: {  	_ =	swait.ge [sflag:s23], $0x1  }
0xa4: {  	[sflag:s23] =	ssyncset.done $0x0  }
0xa5: {  	s25 =	simm.s32 $0x1B8E;
	s24 =	sld [smem:$0x3FFE];
	[sflag:s23] =	ssyncadd.s32 $0xFFFFFFFF  }
0xa6: {  	s26 =	simm.s32 $execute0_lowered;
	[smem:$0x3FD2] =	sst s25  }
0xa7: {  	s6 =	sshll.u32 s26, $0x1;
	_ =	strace $0x80000046;
	[dreg:$0x1] =	wrdreg $0xFFFFFFFF  }
0xa8: {  	s28 =	simm.s32 $_size_execute0_lowered;
	s4 =	sadd.s32 s4, s6;
	[dreg:$0x0] =	wrdreg $0x0  }
0xa9: {  	s6 =	sshll.u32 s28, $0x1;
	[dreg:$0x2] =	wrdreg s4  }
0xaa: {  	[dreg:$0x3] =	wrdreg s6  }
0xab: {  	[dreg:$0x4] =	wrdreg $0xC0  }
0xac: {  	_ =	task [dreg:s8], $0x5FFFF  }
0xad: {  	[dreg:$0x1] =	wrdreg $0xFFFFFFFF  }
0xae: {  	[dreg:$0x0] =	wrdreg $0x60  }
0xaf: {  	[dreg:$0x2] =	wrdreg s24  }
0xb0: {  	[dreg:$0x3] =	wrdreg s2  }
0xb1: {  	[dreg:$0x4] =	wrdreg s18  }
0xb2: {  	[dreg:$0x5] =	wrdreg $0x9  }
0xb3: {  	_ =	task.clear_ibuf [dreg:s8], $0x6FFFF;
	_ =	strace $0x90000046  }
0xb4: {  	s29 =	simm.s32 $0x9;
	_ =	strace $0x80000048  }
0xb5: {  	_ =	swait.ge [sflag:s29], $0x1  }
0xb6: {  	[sflag:s29] =	ssyncadd.s32 $0xFFFFFFFF  }
0xb7: {  	_ =	strace $0x90000048  }
0xb8: {  	_ =	sfence  }
0xb9: {  	s30 =	sld [smem:$0x0];
	_ =	sdelay $0x2  }
0xba: {  	s31 =	sshll.u32 s1, $0xD;
	s1 =	sshrl.u32 s1, $0x2  }
0xbb: {  	s3 =	sand.u32 $0x4000, s31;
	s1 =	sadd.s32 s1, s30  }
0xbc: {  	s0 =	sor.u32 s3, s0;
	s1 =	sshll.u32 s1, $0x11  }
0xbd: {  	s0 =	sor.u32 s1, s0  }
0xbe: {  	s0 =	sadd.s32 $0x8F2B, s0  }
0xbf: {  	[sflag:s0] =	ssyncadd.remote.s32 $0x1  }
0xc0: {  	_ =	sfence.sel $0xFFFF  }
0xc1: {  	[dreg:$0x0] =	wrdreg $0xFFFFFFFF;
	(pc) =	sbr.abs _section_cstart, $3  }
0xc2: {  	[dreg:$0x1] =	wrdreg $0xFFFFFFFF  }
0xc3: {  	_ =	task.clear_ibuf [dreg:s8], $0x2FFFF;
	_ =	strace $0x9FFFFFFF  }
0xc4: {  	(tm) =	ssettm $0x7FFFFFFF  }
0xc5: {  	_ =	shalt  }
tec
execute0_lowered:
.L_overlay_start_1:
0x0: {  	(tag) =	ssettag $0x1  }
0x1: {  	s0 =	rddreg [dreg:$0x0]  }
0x2: {  	s3 =	rddreg [dreg:$0x2];
	s4 =	simm.s32 $0x0  }
0x3: {  	s1 =	srdreg.scid;
	s2 =	stileid.u32;
	s12 =	simm.s32 $0x2  }
0x4: {  	s15 =	simm.s32 $0x3800;
	s16 =	simm.s32 $0x80;
	s18 =	simm.s32 $0x3580  }
0x5: {  	s19 =	simm.s32 $0x1E00;
	s20 =	simm.s32 $0x2E00;
	s21 =	simm.s32 $0x2600  }
0x6: {  	s22 =	simm.s32 $0x3600;
	s23 =	simm.s32 $0x1E80;
	s28 =	simm.s32 $0x1F00  }
0x7: {  	s29 =	simm.s32 $0x2F00;
	s30 =	simm.s32 $0x2700;
	s31 =	simm.s32 $0x3700  }
0x8: {  	s10 =	simm.s32 $0x1;
	s11 =	simm.s32 $0x0;
	s17 =	simm.s32 $0x800  }
0x9: {  	[smem:$0x7FF] =	sst s4;
	s1 =	sand.u32 $0x1, s1;
	s2 =	sshll.u32 s2, $0x1  }
0xa: {  	s5 =	sadd.s32 $0xC3E00, s0;
	s6 =	sadd.s32 $0x800, s0;
	s2 =	sor.u32 s1, s2  }
0xb: {  	_ =	strace $0x80000047;
	s1 =	ssub.s32 $0x2, s1;
	s24 =	sshll.u32 s2, $0xB  }
0xc: {  	s7 =	sshll.u32 s2, $0x4;
	s8 =	sshrl.u32 s1, $0x1;
	s9 =	smul.u32 $0x61, s2  }
0xd: {  	p0 =	slt.u32 s2, $0x15;
	s2 =	smin.u32 s2, $0x15;
	s4 =	sadd.s32 s24, s0  }
0xe: {  	s0 =	sadd.s32 s7, s0;
	s7 =	simm.s32 $0x62;
	s1 =	ssub.s32 s1, s8  }
0xf: {  	s24 =	simm.s32 $0x2E80;
	s7 =	simm.s32 @!p0 $0x61;
	s0 =	sadd.s32 $0x197400, s0  }
0x10: {  	s8 =	sadd.s32 s2, s9;
	s25 =	sadd.s32 $0x187400, s4;
	[dreg:$0x4] =	wrdreg s0  }
0x11: {  	s26 =	smax.u32 s1, $0x1;
	s2 =	simm.s32 $0x2F80;
	[dreg:$0x5] =	wrdreg s25  }
0x12: {  	s4 =	simm.s32 $0x2780;
	s9 =	simm.s32 $0x3780;
	[dreg:$0x6] =	wrdreg s26  }
0x13: {  	v0 =	vimm.s32 $0x0;
	v1 =	vlaneseq.u32;
	v2 =	vimm.s32 $0x1;
	s25 =	simm.s32 $0x2680;
	s26 =	simm.s32 $0x3680;
	s0 =	simm.s32 $0x1F80  }
.LBB2_1:
0x14: {  	[dreg:$0x7] =	wrdreg s11;
	s1 =	simm.s32 $0x0  }
.LBB2_2:
0x15: {  	p0 =	sne.s32 s1, $0xFE00  }
.Ltmp0:
0x16: {  	_ = 	snop;
	(pc) =	sbr.rel @p0 .LBB2_2-.Ltmp0, $3  }
0x17: {  	_ =	sdelay $0x1  }
0x18: {  	s11 =	sshra.s32 s1, $0x2  }
0x19: {  	s1 =	sadd.s32 $0x200, s1;
	[tilespmem:s11+$0x3800] =	vst v0  }
0x1a: {  	s11 =	simm.s32 $0x0;
	v3 =	vimm.f32 $0.0e+00;
	s1 =	simm.s32 $0x0  }
.LBB2_4:
0x1b: {  	s13 =	sadd.s32 s1, s8  }
0x1c: {  	s13 =	sshll.u32 s13, $0x8  }
0x1d: {  	s13 =	sand.u32 $0x1FFFFF00, s13  }
0x1e: {  	s14 =	sadd.s32 s5, s13  }
0x1f: {  	[tilespmem:s11], [sflag:$0x2] =	stream.linear.gather [hbm4b:s14+s11], $0x800, $0x38;
	[tilespmem:$0x7880] =	vst v63  }
0x20: {  	_ =	swait.ge [sflag:s12], $0x800  }
0x21: {  	[sflag:s12] =	ssyncset.done $0x0  }
0x22: {  	s14 =	sadd.s32 s6, s13;
	[sflag:s12] =	ssyncadd.s32 $0xFFFFF800  }
0x23: {  	[tilespmem:s17], [sflag:$0x2] =	stream.linear.gather [hbm4b:s14+s11], $0x800, $0x38;
	[tilespmem:$0x7880] =	vst v63  }
0x24: {  	_ =	swait.ge [sflag:s12], $0x800  }
0x25: {  	[sflag:s12] =	ssyncset.done $0x0  }
0x26: {  	[sflag:s12] =	ssyncadd.s32 $0xFFFFF800  }
0x27: {  	s14 =	rddreg [dreg:$0x1]  }
0x28: {  	s13 =	sadd.s32 s14, s13;
	s14 =	simm.s32 $0x1000  }
0x29: {  	[tilespmem:s14], [sflag:$0x2] =	stream.linear.gather [hbm4b:s13+s11], $0x800, $0x38;
	[tilespmem:$0x7880] =	vst v63  }
0x2a: {  	_ =	swait.ge [sflag:s12], $0x800  }
0x2b: {  	[sflag:s12] =	ssyncset.done $0x0  }
0x2c: {  	s13 =	simm.s32 $0x0;
	s14 =	simm.s32 $0x40;
	[sflag:s12] =	ssyncadd.s32 $0xFFFFF800  }
.LBB2_5:
0x2d: {  	p0 =	sne.s32 s14, $0x1FC0;
	v4 =	vld [tilespmem:s13+$0x1000];
	_ =	sdelay $0x1  }
0x2e: {  	v5 =	vld [tilespmem:s13+$0x0]  }
0x2f: {  	v6 =	vld [tilespmem:s13+$0x800];
	_ =	sdelay $0x1  }
0x30: {  	v7 =	vshll.u32 v4, $0x7  }
0x31: {  	v7 =	vor.u32 v1, v7  }
.Ltmp1:
0x32: {  	v5 =	vshll.u32 v5, $0x7;
	(pc) =	sbr.rel @p0 .LBB2_5-.Ltmp1, $4  }
0x33: {  	v5 =	vadd.s32 v5, v4;
	v6 =	vshll.u32 v6, $0x7  }
0x34: {  	[tilespmem:s13+$0x1800] =	vst v5;
	v4 =	vadd.s32 v4, v6  }
0x35: {  	[tilespmem:s13+$0x2000] =	vst v4  }
0x36: {  	s13 =	sshra.s32 s14, $0x2;
	s14 =	sadd.s32 $0x40, s14;
	[tilespmem:v7+s15+$0x0] =	vst.idx.add.s32.msk $0xffff, v2  }
0x37: {  	v4 =	vld [tilespmem:s13+$0x1000];
	_ =	sdelay $0x1  }
0x38: {  	v5 =	vld [tilespmem:s13+$0x0]  }
0x39: {  	v6 =	vld [tilespmem:s13+$0x800];
	_ =	sdelay $0x1  }
0x3a: {  	v7 =	vshll.u32 v4, $0x7  }
0x3b: {  	v7 =	vor.u32 v1, v7  }
0x3c: {  	v5 =	vshll.u32 v5, $0x7  }
0x3d: {  	v6 =	vshll.u32 v6, $0x7;
	v5 =	vadd.s32 v5, v4  }
0x3e: {  	v4 =	vadd.s32 v4, v6;
	[tilespmem:s13+$0x1800] =	vst v5  }
0x3f: {  	[tilespmem:s13+$0x2000] =	vst v4  }
0x40: {  	s14 =	simm.s32 $0x2800;
	s13 =	simm.s32 $0x1800;
	[tilespmem:v7+s15+$0x0] =	vst.idx.add.s32.msk $0xffff, v2  }
0x41: {  	[tilespmem:s14], [sflag:$0x1] =	stream.indirect.gather [hbm4b:s3+s16], $0x1, s13, s16, $0xb8;
	[tilespmem:$0x7880] =	vst v63  }
0x42: {  	s13 =	simm.s32 $0x2000;
	s14 =	simm.s32 $0x3000  }
0x43: {  	[tilespmem:s14], [sflag:$0x1] =	stream.indirect.gather [hbm4b:s3+s16], $0x1, s13, s16, $0xb8;
	[tilespmem:$0x7880] =	vst v63  }
0x44: {  	s13 =	simm.s32 $0x1880;
	s14 =	simm.s32 $0x2880  }
0x45: {  	[tilespmem:s14], [sflag:$0x1] =	stream.indirect.gather [hbm4b:s3+s16], $0x1, s13, s16, $0xb8;
	[tilespmem:$0x7880] =	vst v63  }
0x46: {  	s13 =	simm.s32 $0x2080;
	s14 =	simm.s32 $0x3080  }
0x47: {  	[tilespmem:s14], [sflag:$0x1] =	stream.indirect.gather [hbm4b:s3+s16], $0x1, s13, s16, $0xb8;
	[tilespmem:$0x7880] =	vst v63  }
0x48: {  	s13 =	simm.s32 $0x1900;
	s14 =	simm.s32 $0x2900  }
0x49: {  	[tilespmem:s14], [sflag:$0x1] =	stream.indirect.gather [hbm4b:s3+s16], $0x1, s13, s16, $0xb8;
	[tilespmem:$0x7880] =	vst v63  }
0x4a: {  	s13 =	simm.s32 $0x2100;
	s14 =	simm.s32 $0x3100  }
0x4b: {  	[tilespmem:s14], [sflag:$0x1] =	stream.indirect.gather [hbm4b:s3+s16], $0x1, s13, s16, $0xb8;
	[tilespmem:$0x7880] =	vst v63  }
0x4c: {  	s13 =	simm.s32 $0x1980;
	s14 =	simm.s32 $0x2980  }
0x4d: {  	[tilespmem:s14], [sflag:$0x1] =	stream.indirect.gather [hbm4b:s3+s16], $0x1, s13, s16, $0xb8;
	[tilespmem:$0x7880] =	vst v63  }
0x4e: {  	s13 =	simm.s32 $0x2180;
	s14 =	simm.s32 $0x3180  }
0x4f: {  	[tilespmem:s14], [sflag:$0x1] =	stream.indirect.gather [hbm4b:s3+s16], $0x1, s13, s16, $0xb8;
	[tilespmem:$0x7880] =	vst v63  }
0x50: {  	s13 =	simm.s32 $0x1A00;
	s14 =	simm.s32 $0x2A00  }
0x51: {  	[tilespmem:s14], [sflag:$0x1] =	stream.indirect.gather [hbm4b:s3+s16], $0x1, s13, s16, $0xb8;
	[tilespmem:$0x7880] =	vst v63  }
0x52: {  	s13 =	simm.s32 $0x2200;
	s14 =	simm.s32 $0x3200  }
0x53: {  	[tilespmem:s14], [sflag:$0x1] =	stream.indirect.gather [hbm4b:s3+s16], $0x1, s13, s16, $0xb8;
	[tilespmem:$0x7880] =	vst v63  }
0x54: {  	s13 =	simm.s32 $0x1A80;
	s14 =	simm.s32 $0x2A80  }
0x55: {  	[tilespmem:s14], [sflag:$0x1] =	stream.indirect.gather [hbm4b:s3+s16], $0x1, s13, s16, $0xb8;
	[tilespmem:$0x7880] =	vst v63  }
0x56: {  	s13 =	simm.s32 $0x2280;
	s14 =	simm.s32 $0x3280  }
0x57: {  	[tilespmem:s14], [sflag:$0x1] =	stream.indirect.gather [hbm4b:s3+s16], $0x1, s13, s16, $0xb8;
	[tilespmem:$0x7880] =	vst v63  }
0x58: {  	s13 =	simm.s32 $0x1B00;
	s14 =	simm.s32 $0x2B00  }
0x59: {  	[tilespmem:s14], [sflag:$0x1] =	stream.indirect.gather [hbm4b:s3+s16], $0x1, s13, s16, $0xb8;
	[tilespmem:$0x7880] =	vst v63  }
0x5a: {  	s13 =	simm.s32 $0x2300;
	s14 =	simm.s32 $0x3300  }
0x5b: {  	[tilespmem:s14], [sflag:$0x1] =	stream.indirect.gather [hbm4b:s3+s16], $0x1, s13, s16, $0xb8;
	[tilespmem:$0x7880] =	vst v63  }
0x5c: {  	s13 =	simm.s32 $0x1B80;
	s14 =	simm.s32 $0x2B80  }
0x5d: {  	[tilespmem:s14], [sflag:$0x1] =	stream.indirect.gather [hbm4b:s3+s16], $0x1, s13, s16, $0xb8;
	[tilespmem:$0x7880] =	vst v63  }
0x5e: {  	s13 =	simm.s32 $0x2380;
	s14 =	simm.s32 $0x3380  }
0x5f: {  	[tilespmem:s14], [sflag:$0x1] =	stream.indirect.gather [hbm4b:s3+s16], $0x1, s13, s16, $0xb8;
	[tilespmem:$0x7880] =	vst v63  }
0x60: {  	s13 =	simm.s32 $0x1C00;
	s14 =	simm.s32 $0x2C00  }
0x61: {  	[tilespmem:s14], [sflag:$0x1] =	stream.indirect.gather [hbm4b:s3+s16], $0x1, s13, s16, $0xb8;
	[tilespmem:$0x7880] =	vst v63  }
0x62: {  	s13 =	simm.s32 $0x2400;
	s14 =	simm.s32 $0x3400  }
0x63: {  	[tilespmem:s14], [sflag:$0x1] =	stream.indirect.gather [hbm4b:s3+s16], $0x1, s13, s16, $0xb8;
	[tilespmem:$0x7880] =	vst v63  }
0x64: {  	s13 =	simm.s32 $0x1C80;
	s14 =	simm.s32 $0x2C80  }
0x65: {  	[tilespmem:s14], [sflag:$0x1] =	stream.indirect.gather [hbm4b:s3+s16], $0x1, s13, s16, $0xb8;
	[tilespmem:$0x7880] =	vst v63  }
0x66: {  	s13 =	simm.s32 $0x2480;
	s14 =	simm.s32 $0x3480  }
0x67: {  	[tilespmem:s14], [sflag:$0x1] =	stream.indirect.gather [hbm4b:s3+s16], $0x1, s13, s16, $0xb8;
	[tilespmem:$0x7880] =	vst v63  }
0x68: {  	s13 =	simm.s32 $0x1D00;
	s14 =	simm.s32 $0x2D00  }
0x69: {  	[tilespmem:s14], [sflag:$0x1] =	stream.indirect.gather [hbm4b:s3+s16], $0x1, s13, s16, $0xb8;
	[tilespmem:$0x7880] =	vst v63  }
0x6a: {  	s13 =	simm.s32 $0x2500;
	s14 =	simm.s32 $0x3500  }
0x6b: {  	[tilespmem:s14], [sflag:$0x1] =	stream.indirect.gather [hbm4b:s3+s16], $0x1, s13, s16, $0xb8;
	[tilespmem:$0x7880] =	vst v63  }
0x6c: {  	s13 =	simm.s32 $0x1D80;
	s14 =	simm.s32 $0x2D80  }
0x6d: {  	[tilespmem:s14], [sflag:$0x1] =	stream.indirect.gather [hbm4b:s3+s16], $0x1, s13, s16, $0xb8;
	[tilespmem:$0x7880] =	vst v63  }
0x6e: {  	s14 =	simm.s32 $0x2580  }
0x6f: {  	[tilespmem:s18], [sflag:$0x1] =	stream.indirect.gather [hbm4b:s3+s16], $0x1, s14, s16, $0xb8;
	[tilespmem:$0x7880] =	vst v63  }
0x70: {  	_ = 	snop  }
0x71: {  	[tilespmem:s20], [sflag:$0x1] =	stream.indirect.gather [hbm4b:s3+s16], $0x1, s19, s16, $0xb8;
	[tilespmem:$0x7880] =	vst v63  }
0x72: {  	_ = 	snop  }
0x73: {  	[tilespmem:s22], [sflag:$0x1] =	stream.indirect.gather [hbm4b:s3+s16], $0x1, s21, s16, $0xb8;
	[tilespmem:$0x7880] =	vst v63  }
0x74: {  	_ = 	snop  }
0x75: {  	[tilespmem:s24], [sflag:$0x1] =	stream.indirect.gather [hbm4b:s3+s16], $0x1, s23, s16, $0xb8;
	[tilespmem:$0x7880] =	vst v63  }
0x76: {  	_ = 	snop  }
0x77: {  	[tilespmem:s26], [sflag:$0x1] =	stream.indirect.gather [hbm4b:s3+s16], $0x1, s25, s16, $0xb8;
	[tilespmem:$0x7880] =	vst v63  }
0x78: {  	_ = 	snop  }
0x79: {  	[tilespmem:s29], [sflag:$0x1] =	stream.indirect.gather [hbm4b:s3+s16], $0x1, s28, s16, $0xb8;
	[tilespmem:$0x7880] =	vst v63  }
0x7a: {  	_ = 	snop  }
0x7b: {  	[tilespmem:s31], [sflag:$0x1] =	stream.indirect.gather [hbm4b:s3+s16], $0x1, s30, s16, $0xb8;
	[tilespmem:$0x7880] =	vst v63  }
0x7c: {  	_ = 	snop  }
0x7d: {  	[tilespmem:s2], [sflag:$0x1] =	stream.indirect.gather [hbm4b:s3+s16], $0x1, s0, s16, $0xb8;
	[tilespmem:$0x7880] =	vst v63  }
0x7e: {  	_ = 	snop  }
0x7f: {  	[tilespmem:s9], [sflag:$0x1] =	stream.indirect.gather [hbm4b:s3+s16], $0x1, s4, s16, $0xb8;
	[tilespmem:$0x7880] =	vst v63  }
0x80: {  	_ =	swait.ge [sflag:s10], $0x80  }
0x81: {  	[sflag:s10] =	ssyncset.done $0x0  }
0x82: {  	[sflag:s10] =	ssyncadd.s32 $0xFFFFFF80  }
0x83: {  	_ =	swait.ge [sflag:s10], $0x80  }
0x84: {  	[sflag:s10] =	ssyncset.done $0x0  }
0x85: {  	[sflag:s10] =	ssyncadd.s32 $0xFFFFFF80  }
0x86: {  	_ =	swait.ge [sflag:s10], $0x80  }
0x87: {  	[sflag:s10] =	ssyncset.done $0x0  }
0x88: {  	[sflag:s10] =	ssyncadd.s32 $0xFFFFFF80  }
0x89: {  	_ =	swait.ge [sflag:s10], $0x80  }
0x8a: {  	[sflag:s10] =	ssyncset.done $0x0  }
0x8b: {  	[sflag:s10] =	ssyncadd.s32 $0xFFFFFF80  }
0x8c: {  	_ =	swait.ge [sflag:s10], $0x80  }
0x8d: {  	[sflag:s10] =	ssyncset.done $0x0  }
0x8e: {  	[sflag:s10] =	ssyncadd.s32 $0xFFFFFF80  }
0x8f: {  	_ =	swait.ge [sflag:s10], $0x80  }
0x90: {  	[sflag:s10] =	ssyncset.done $0x0  }
0x91: {  	[sflag:s10] =	ssyncadd.s32 $0xFFFFFF80  }
0x92: {  	_ =	swait.ge [sflag:s10], $0x80  }
0x93: {  	[sflag:s10] =	ssyncset.done $0x0  }
0x94: {  	[sflag:s10] =	ssyncadd.s32 $0xFFFFFF80  }
0x95: {  	_ =	swait.ge [sflag:s10], $0x80  }
0x96: {  	[sflag:s10] =	ssyncset.done $0x0  }
0x97: {  	[sflag:s10] =	ssyncadd.s32 $0xFFFFFF80  }
0x98: {  	_ =	swait.ge [sflag:s10], $0x80  }
0x99: {  	[sflag:s10] =	ssyncset.done $0x0  }
0x9a: {  	[sflag:s10] =	ssyncadd.s32 $0xFFFFFF80  }
0x9b: {  	_ =	swait.ge [sflag:s10], $0x80  }
0x9c: {  	[sflag:s10] =	ssyncset.done $0x0  }
0x9d: {  	[sflag:s10] =	ssyncadd.s32 $0xFFFFFF80  }
0x9e: {  	_ =	swait.ge [sflag:s10], $0x80  }
0x9f: {  	[sflag:s10] =	ssyncset.done $0x0  }
0xa0: {  	[sflag:s10] =	ssyncadd.s32 $0xFFFFFF80  }
0xa1: {  	_ =	swait.ge [sflag:s10], $0x80  }
0xa2: {  	[sflag:s10] =	ssyncset.done $0x0  }
0xa3: {  	[sflag:s10] =	ssyncadd.s32 $0xFFFFFF80  }
0xa4: {  	_ =	swait.ge [sflag:s10], $0x80  }
0xa5: {  	[sflag:s10] =	ssyncset.done $0x0  }
0xa6: {  	[sflag:s10] =	ssyncadd.s32 $0xFFFFFF80  }
0xa7: {  	_ =	swait.ge [sflag:s10], $0x80  }
0xa8: {  	[sflag:s10] =	ssyncset.done $0x0  }
0xa9: {  	[sflag:s10] =	ssyncadd.s32 $0xFFFFFF80  }
0xaa: {  	_ =	swait.ge [sflag:s10], $0x80  }
0xab: {  	[sflag:s10] =	ssyncset.done $0x0  }
0xac: {  	[sflag:s10] =	ssyncadd.s32 $0xFFFFFF80  }
0xad: {  	_ =	swait.ge [sflag:s10], $0x80  }
0xae: {  	[sflag:s10] =	ssyncset.done $0x0  }
0xaf: {  	[sflag:s10] =	ssyncadd.s32 $0xFFFFFF80  }
0xb0: {  	_ =	swait.ge [sflag:s10], $0x80  }
0xb1: {  	[sflag:s10] =	ssyncset.done $0x0  }
0xb2: {  	[sflag:s10] =	ssyncadd.s32 $0xFFFFFF80  }
0xb3: {  	_ =	swait.ge [sflag:s10], $0x80  }
0xb4: {  	[sflag:s10] =	ssyncset.done $0x0  }
0xb5: {  	[sflag:s10] =	ssyncadd.s32 $0xFFFFFF80  }
0xb6: {  	_ =	swait.ge [sflag:s10], $0x80  }
0xb7: {  	[sflag:s10] =	ssyncset.done $0x0  }
0xb8: {  	[sflag:s10] =	ssyncadd.s32 $0xFFFFFF80  }
0xb9: {  	_ =	swait.ge [sflag:s10], $0x80  }
0xba: {  	[sflag:s10] =	ssyncset.done $0x0  }
0xbb: {  	[sflag:s10] =	ssyncadd.s32 $0xFFFFFF80  }
0xbc: {  	_ =	swait.ge [sflag:s10], $0x80  }
0xbd: {  	[sflag:s10] =	ssyncset.done $0x0  }
0xbe: {  	[sflag:s10] =	ssyncadd.s32 $0xFFFFFF80  }
0xbf: {  	_ =	swait.ge [sflag:s10], $0x80  }
0xc0: {  	[sflag:s10] =	ssyncset.done $0x0  }
0xc1: {  	[sflag:s10] =	ssyncadd.s32 $0xFFFFFF80  }
0xc2: {  	_ =	swait.ge [sflag:s10], $0x80  }
0xc3: {  	[sflag:s10] =	ssyncset.done $0x0  }
0xc4: {  	[sflag:s10] =	ssyncadd.s32 $0xFFFFFF80  }
0xc5: {  	_ =	swait.ge [sflag:s10], $0x80  }
0xc6: {  	[sflag:s10] =	ssyncset.done $0x0  }
0xc7: {  	[sflag:s10] =	ssyncadd.s32 $0xFFFFFF80  }
0xc8: {  	_ =	swait.ge [sflag:s10], $0x80  }
0xc9: {  	[sflag:s10] =	ssyncset.done $0x0  }
0xca: {  	[sflag:s10] =	ssyncadd.s32 $0xFFFFFF80  }
0xcb: {  	_ =	swait.ge [sflag:s10], $0x80  }
0xcc: {  	[sflag:s10] =	ssyncset.done $0x0  }
0xcd: {  	[sflag:s10] =	ssyncadd.s32 $0xFFFFFF80  }
0xce: {  	_ =	swait.ge [sflag:s10], $0x80  }
0xcf: {  	[sflag:s10] =	ssyncset.done $0x0  }
0xd0: {  	[sflag:s10] =	ssyncadd.s32 $0xFFFFFF80  }
0xd1: {  	_ =	swait.ge [sflag:s10], $0x80  }
0xd2: {  	[sflag:s10] =	ssyncset.done $0x0  }
0xd3: {  	[sflag:s10] =	ssyncadd.s32 $0xFFFFFF80  }
0xd4: {  	_ =	swait.ge [sflag:s10], $0x80  }
0xd5: {  	[sflag:s10] =	ssyncset.done $0x0  }
0xd6: {  	[sflag:s10] =	ssyncadd.s32 $0xFFFFFF80  }
0xd7: {  	_ =	swait.ge [sflag:s10], $0x80  }
0xd8: {  	[sflag:s10] =	ssyncset.done $0x0  }
0xd9: {  	[sflag:s10] =	ssyncadd.s32 $0xFFFFFF80  }
0xda: {  	_ =	swait.ge [sflag:s10], $0x80  }
0xdb: {  	[sflag:s10] =	ssyncset.done $0x0  }
0xdc: {  	[sflag:s10] =	ssyncadd.s32 $0xFFFFFF80  }
0xdd: {  	_ =	swait.ge [sflag:s10], $0x80  }
0xde: {  	[sflag:s10] =	ssyncset.done $0x0  }
0xdf: {  	s14 =	simm.s32 $0x0;
	[sflag:s10] =	ssyncadd.s32 $0xFFFFFF80  }
0xe0: {  	v5 =	vld [tilespmem:s14+$0x2800]  }
0xe1: {  	s13 =	simm.s32 $0x40;
	v4 =	vld [tilespmem:s14+$0x3000]  }
.LBB2_7:
0xe2: {  	p0 =	sne.s32 s13, $0x1FC0  }
.Ltmp2:
0xe3: {  	_ = 	snop;
	(pc) =	sbr.rel @p0 .LBB2_7-.Ltmp2, $4  }
0xe4: {  	_ = 	snop  }
0xe5: {  	s14 =	sshra.s32 s13, $0x2;
	v3 =	vadd.f32 v5, v3  }
0xe6: {  	v5 =	vld [tilespmem:s14+$0x2800]  }
0xe7: {  	s13 =	sadd.s32 $0x40, s13;
	v3 =	vadd.f32 v4, v3;
	v4 =	vld [tilespmem:s14+$0x3000]  }
0xe8: {  	s1 =	sadd.s32 $0x1, s1  }
0xe9: {  	p0 =	sne.s32 s1, s7  }
.Ltmp3:
0xea: {  	_ = 	snop;
	(pc) =	sbr.rel @p0 .LBB2_4-.Ltmp3, $3  }
0xeb: {  	_ = 	snop  }
0xec: {  	v3 =	vadd.f32 v5, v3;
	_ =	sdelay $0x1  }
0xed: {  	v3 =	vadd.f32 v4, v3  }
0xee: {  	_ = 	snop  }
0xef: {  	s1 =	simm.s32 $0x0;
	s11 =	rddreg [dreg:$0x4];
	s13 =	simm.s32 $0x7800;
	[tilespmem:$0x7800] =	vst v3  }
0xf0: {  	[hbm4b:s11+s1] =	stream.linear.scatter [tilespmem:s13], [sflag:$0x2], $0x80, $0x38;
	[tilespmem:$0x7880] =	vst v63  }
0xf1: {  	_ =	swait.ge [sflag:s12], $0x80  }
0xf2: {  	[sflag:s12] =	ssyncset.done $0x0  }
0xf3: {  	s14 =	rddreg [dreg:$0x5];
	[sflag:s12] =	ssyncadd.s32 $0xFFFFFF80  }
0xf4: {  	[hbm4b:s14+s1] =	stream.linear.scatter [tilespmem:s15], [sflag:$0x2], $0x4000, $0x38;
	[tilespmem:$0x7880] =	vst v63  }
0xf5: {  	_ =	swait.ge [sflag:s12], $0x4000  }
0xf6: {  	s13 =	rddreg [dreg:$0x7]  }
0xf7: {  	s14 =	rddreg [dreg:$0x6];
	s11 =	sadd.s32 $0x1, s13  }
0xf8: {  	p0 =	sne.s32 s11, s14  }
.Ltmp4:
0xf9: {  	_ = 	snop;
	(pc) =	sbr.rel @p0 .LBB2_1-.Ltmp4, $3  }
0xfa: {  	_ =	sdelay $0x1  }
0xfb: {  	[sflag:s12] =	ssyncset.done $0x0  }
0xfc: {  	[sflag:s12] =	ssyncadd.s32 $0xFFFFC000  }
0xfd: {  	_ =	sfence.sel $0x180000  }
0xfe: {  	[bflag:$0x0] =	sbarrier.arrive $0xFFFF  }
0xff: {  	_ =	strace $0x90000047  }
0x100: {  	s0 =	stileid.u32;
	[bflag:$0x2] =	sbarrier.arrive $0xFFFF  }
0x101: {  	p0 =	sne.s32 s0, $0x0;
	s0 =	rddreg [dreg:$0x3]  }
0x102: {  	s0 =	sadd.s32 @!p0 $0x100000, s0  }
0x103: {  	[sflag:s0] =	ssyncadd.tile.s32 @!p0 $0x1;
	_ =	shalt  }
.Lfunc_end2:
_tile_overlayer_lowered:
.L_overlay_start_2:
0x104: {  	(tag) =	ssettag $0x2  }
0x105: {  	s0 =	rddreg [dreg:$0x0];
	s2 =	stileid.u32  }
0x106: {  	s1 =	rddreg [dreg:$0x1];
	p0 =	sne.s32 s2, $0x0  }
0x107: {  	s3 =	rddreg [dreg:$0x2];
	[bflag:$0x3] =	sbarrier.arrive $0xFFFF;
	s2 =	simm.s32 @!p0 $0x1C02  }
0x108: {  	[timem:s3], [sflag:s2] =	dma.local @!p0 [hbm:s0], s1  }
0x109: {  	s0 =	simm.s32 @!p0 $0x2  }
0x10a: {  	_ =	swait.ge @!p0 [sflag:s0], s1  }
0x10b: {  	s1 =	ssub.s32 @!p0 $0x0, s1;
	[sflag:s0] =	ssyncset.done @!p0 $0x0  }
0x10c: {  	[sflag:s0] =	ssyncadd.s32 @!p0 s1  }
0x10d: {  	[bflag:$0x3] =	sbarrier.arrive $0xFFFF  }
0x10e: {  	_ =	shalt  }

</sc_bundles>
